<compile_context>
chip_gen: v7x
topology: tpu7x:2x2x1
jax: 0.10.2.dev20260603
libtpu: 0.0.44.dev20260713+nightly
codegen_flags: <defaults>
</compile_context>

<pallas_src>
import functools

import jax
import jax.numpy as jnp
from jax import lax
from jax.experimental import pallas as pl
from jax.experimental.pallas import tpu as pltpu
from jax.experimental.pallas import tpu_sc as plsc

N = 10000
E = 320000
D = 128
NC, NS = 2, 16
NW = NC * NS
EPW = E // NW
C = 80
NCH = EPW // C
RPT = 624
RPT_LAST = N - RPT * (NS - 1)


def _wb(src_sh, out_h, c, sbase, s):
    def wb(sz):
        pltpu.sync_copy(src_sh.at[pl.ds(sbase, sz)],
                        out_h.at[c, pl.ds(sbase, sz)])
    pl.when(s < NS - 1)(lambda: wb(RPT))
    pl.when(s == NS - 1)(lambda: wb(RPT_LAST))


def _sc_sum_body(x_h, src_h, dst_h, zeros_h, out_h,
                 src_all, dst_all, rows_v0, rows_v1, acc_sh,
                 sem0, sem1, sem2):
    c = lax.axis_index("c")
    s = lax.axis_index("s")
    wid = s * NC + c
    sbase = s * RPT

    def zdesc(sz):
        return pltpu.make_async_copy(zeros_h.at[pl.ds(0, sz)],
                                     acc_sh.at[pl.ds(sbase, sz)], sem2)
    pl.when(s < NS - 1)(lambda: zdesc(RPT).start())
    pl.when(s == NS - 1)(lambda: zdesc(RPT_LAST).start())
    pltpu.make_async_copy(src_h.at[wid], src_all, sem0).start()
    pltpu.make_async_copy(dst_h.at[wid], dst_all, sem1).start()
    pl.when(s < NS - 1)(lambda: zdesc(RPT).wait())
    pl.when(s == NS - 1)(lambda: zdesc(RPT_LAST).wait())
    pltpu.make_async_copy(src_h.at[wid], src_all, sem0).wait()
    pltpu.make_async_copy(dst_h.at[wid], dst_all, sem1).wait()
    plsc.subcore_barrier()

    bufs = ((rows_v0, sem0), (rows_v1, sem1))

    def fire(g, b):
        rows_v, sem = bufs[b]
        idx = src_all.at[pl.ds(g * C, C)]
        pltpu.make_async_copy(x_h.at[idx], rows_v, sem).start()

    def finish(g, b):
        rows_v, sem = bufs[b]
        idx = src_all.at[pl.ds(g * C, C)]
        pltpu.make_async_copy(x_h.at[idx], rows_v, sem).wait()
        pltpu.sync_copy(rows_v, acc_sh.at[dst_all.at[g]], add=True)

    fire(0, 0)
    fire(1, 1)

    def step2(k, carry):
        for b in range(2):
            g = 2 * k + b
            finish(g, b)

            @pl.when(g + 2 < NCH)
            def _():
                fire(g + 2, b)
        return carry
    lax.fori_loop(0, NCH // 2, step2, 0)
    if NCH % 2:
        finish(NCH - 1, 0)
    plsc.subcore_barrier()

    _wb(acc_sh, out_h, c, sbase, s)


NR = 80


def _sc_cnt_body(dst_h, zeros_h, out_h, dst_flat, hist2d, iota_v, cnt_sh):
    c = lax.axis_index("c")
    s = lax.axis_index("s")
    wid = s * NC + c

    for j in range(NR // 16):
        iota_v[pl.ds(j * 16, 16)] = lax.iota(jnp.int32, 16) + 16 * j
    pltpu.sync_copy(zeros_h, hist2d)

    @pl.when(s == 0)
    def _():
        pltpu.sync_copy(zeros_h, cnt_sh)
    pltpu.sync_copy(dst_h.at[wid], dst_flat)
    plsc.subcore_barrier()

    ones16 = jnp.ones((16,), jnp.float32)

    def step(i, carry):
        idx = dst_flat[pl.ds(i * 16, 16)]
        r = lax.shift_right_logical(idx, 7)
        cl = lax.bitwise_and(idx, 127)
        plsc.addupdate_scatter(hist2d, [r, cl], ones16)
        return carry
    lax.fori_loop(0, EPW // 16, step, 0)

    pltpu.sync_copy(hist2d, cnt_sh.at[iota_v], add=True)
    plsc.subcore_barrier()

    @pl.when(s < NR // 8)
    def _():
        pltpu.sync_copy(cnt_sh.at[pl.ds(s * 8, 8)],
                        out_h.at[c, pl.ds(s * 8, 8)])


_MESH = plsc.VectorSubcoreMesh(core_axis_name="c", subcore_axis_name="s")

_sc_sum = pl.kernel(
    _sc_sum_body,
    out_type=(jax.ShapeDtypeStruct((NC, N, D), jnp.float32),),
    mesh=_MESH,
    scratch_types=(
        pltpu.VMEM((EPW,), jnp.int32),
        pltpu.VMEM((NCH, C), jnp.int32),
        pltpu.VMEM((C, D), jnp.float32),
        pltpu.VMEM((C, D), jnp.float32),
        pltpu.VMEM_SHARED((N, D), jnp.float32),
        pltpu.SemaphoreType.DMA,
        pltpu.SemaphoreType.DMA,
        pltpu.SemaphoreType.DMA,
    ),
)

_sc_cnt = pl.kernel(
    _sc_cnt_body,
    out_type=(jax.ShapeDtypeStruct((NC, NR, D), jnp.float32),),
    mesh=_MESH,
    scratch_types=(
        pltpu.VMEM((EPW,), jnp.int32),
        pltpu.VMEM((NR, D), jnp.float32),
        pltpu.VMEM((NR,), jnp.int32),
        pltpu.VMEM_SHARED((NR, D), jnp.float32),
    ),
    compiler_params=pltpu.CompilerParams(needs_layout_passes=False),
)

BLK = 400


def _tc_body(relu, sum_ref, cnt_ref, x_ref, wl_ref, wr_ref, b_ref, out_ref):
    ssum = sum_ref[0] + sum_ref[1]
    cnt = cnt_ref[0, :, 0:1] + cnt_ref[1, :, 0:1]
    aggr = ssum / jnp.maximum(cnt, 1.0)
    y = (jnp.dot(aggr, wl_ref[...], preferred_element_type=jnp.float32)
         + jnp.dot(x_ref[...], wr_ref[...], preferred_element_type=jnp.float32)
         + b_ref[...])
    out_ref[...] = jnp.maximum(y, 0.0) if relu else y


def _tc_layer(summed, cnt, x, Wl, Wr, b, relu):
    grid = (N // BLK,)
    return pl.pallas_call(
        functools.partial(_tc_body, relu),
        grid=grid,
        in_specs=[
            pl.BlockSpec((NC, BLK, D), lambda i: (0, i, 0)),
            pl.BlockSpec((NC, BLK, 1), lambda i: (0, i, 0)),
            pl.BlockSpec((BLK, D), lambda i: (i, 0)),
            pl.BlockSpec((D, D), lambda i: (0, 0)),
            pl.BlockSpec((D, D), lambda i: (0, 0)),
            pl.BlockSpec((1, D), lambda i: (0, 0)),
        ],
        out_specs=pl.BlockSpec((BLK, D), lambda i: (i, 0)),
        out_shape=jax.ShapeDtypeStruct((N, D), jnp.float32),
    )(summed, cnt, x, Wl, Wr, b.reshape(1, D))


def kernel(x, edge_index, W1l, W1r, b1, W2l, W2r, b2):
    src = edge_index[0].astype(jnp.int32).reshape(NW, EPW)
    dst = edge_index[1].astype(jnp.int32).reshape(NW, NCH, C)
    (cnt2d,) = _sc_cnt(edge_index[1].astype(jnp.int32).reshape(NW, EPW),
                       jnp.zeros((NR, D), jnp.float32))
    cnt = cnt2d.reshape(NC, NR * D)[:, :N, None]
    zrows = jnp.zeros((RPT_LAST, D), jnp.float32)
    (summed1,) = _sc_sum(x, src, dst, zrows)
    h = _tc_layer(summed1, cnt, x, W1l, W1r, b1, relu=True)
    (summed2,) = _sc_sum(h, src, dst, zrows)
    return _tc_layer(summed2, cnt, h, W2l, W2r, b2, relu=False)

# --- scband reference (transcript-rebuilt; emitter-appended) ---
"""Pipeline reference for scband-graph-sage-46377056862925 (READ-ONLY COPY).

The authoritative reference and input builder live on the scoring server;
editing this copy changes nothing except your own understanding.
"""

import jax, jax.numpy as jnp
import numpy as np

N = 10000
E = 320000
D = 128


def setup_inputs(seed: int = 0) -> dict:
    key = jax.random.key(seed)
    ks = [jax.random.fold_in(key, i) for i in range(10)]
    x = jax.random.normal(ks[0], (N, D), dtype=jnp.float32)
    edge_index = jax.random.randint(ks[1], (2, E), 0, N, dtype=jnp.int64)
    s = 1.0 / np.sqrt(D)
    W1l = jax.random.uniform(ks[2], (D, D), jnp.float32, -s, s)
    W1r = jax.random.uniform(ks[3], (D, D), jnp.float32, -s, s)
    b1 = jax.random.uniform(ks[4], (D,), jnp.float32, -s, s)
    W2l = jax.random.uniform(ks[5], (D, D), jnp.float32, -s, s)
    W2r = jax.random.uniform(ks[6], (D, D), jnp.float32, -s, s)
    b2 = jax.random.uniform(ks[7], (D,), jnp.float32, -s, s)
    return {"x": x, "edge_index": edge_index, "W1l": W1l, "W1r": W1r, "b1": b1, "W2l": W2l, "W2r": W2r, "b2": b2}


def _sage_conv(x, edge_index, Wl, Wr, b):
    # PyG SAGEConv with mean aggregation:
    #   out = lin_l(mean_{j in N(i)} x_j) + lin_r(x_i)
    src = edge_index[0]
    dst = edge_index[1]
    msg = jnp.take(x, src, axis=0)                      # gather  [E, D]
    summed = jax.ops.segment_sum(msg, dst, num_segments=N)  # scatter-add [N, D]
    cnt = jax.ops.segment_sum(jnp.ones((msg.shape[0],), x.dtype), dst, num_segments=N)
    aggr = summed / jnp.clip(cnt, 1.0)[:, None]
    return aggr @ Wl + x @ Wr + b


def reference(x, edge_index, W1l, W1r, b1, W2l, W2r, b2):
    h = jax.nn.relu(_sage_conv(x, edge_index, W1l, W1r, b1))
    return _sage_conv(h, edge_index, W2l, W2r, b2)

if __name__ == "__main__":
    import jax
    _d = setup_inputs()
    print(jax.jit(kernel)(*tuple(_d.values())))

</pallas_src>

<mosaic_0001>
#map = affine_map<(d0, d1) -> (0, 0)>
#map1 = affine_map<(d0, d1) -> (0, 0, 0)>
module attributes {stable_mosaic.version = 14 : i64} {
  func.func @_sc_cnt_body(%arg0: i32, %arg1: i32, %arg2: memref<32x10000xi32, #tpu.memory_space<hbm>>, %arg3: memref<80x128xf32, #tpu.memory_space<hbm>>, %arg4: memref<2x80x128xf32, #tpu.memory_space<hbm>>, %arg5: memref<10000xi32, #tpu.memory_space<vmem>>, %arg6: memref<80x128xf32, #tpu.memory_space<vmem>>, %arg7: memref<80xi32, #tpu.memory_space<vmem>>, %arg8: memref<80x128xf32, #tpu.memory_space<vmem_shared>>) attributes {dimension_semantics = [#tpu.dimension_semantics<core_parallel>, #tpu.dimension_semantics<subcore_parallel>], iteration_bounds = array<i64: 2, 16>, scalar_prefetch = 0 : i64, scratch_operands = 4 : i64, tpu.core_type = #tpu.core_type<sc_vector_subcore>, window_params = [{transform_indices = #map}, {transform_indices = #map}, {transform_indices = #map1}]} {
    %mul3A = arith.constant 2 : i32
    %mul3A_0 = arith.muli %arg1, %mul3A : i32
    %add3A = arith.addi %mul3A_0, %arg0 : i32
    %iota3A = tpu.iota {dimensions = array<i32: 0>} : vector<16xi32>
    %add3A_1 = arith.constant 0 : i32
    %add3A_2 = vector.broadcast %add3A_1 : i32 to vector<16xi32>
    %add3A_3 = arith.addi %iota3A, %add3A_2 : vector<16xi32>
    %swap3A = arith.constant 0 : index
    %swap3A_4 = tpu.vector_load %arg7[%swap3A] {strides = array<i32>} : memref<80xi32, #tpu.memory_space<vmem>>, vector<16xi32>,
    tpu.vector_store %arg7[%swap3A], %add3A_3 {strides = array<i32>} : memref<80xi32, #tpu.memory_space<vmem>>, vector<16xi32>,
    %iota3A_5 = tpu.iota {dimensions = array<i32: 0>} : vector<16xi32>
    %add3A_6 = arith.constant 16 : i32
    %add3A_7 = vector.broadcast %add3A_6 : i32 to vector<16xi32>
    %add3A_8 = arith.addi %iota3A_5, %add3A_7 : vector<16xi32>
    %swap3A_9 = arith.constant 16 : index
    %swap3A_10 = tpu.vector_load %arg7[%swap3A_9] {strides = array<i32>} : memref<80xi32, #tpu.memory_space<vmem>>, vector<16xi32>,
    tpu.vector_store %arg7[%swap3A_9], %add3A_8 {strides = array<i32>} : memref<80xi32, #tpu.memory_space<vmem>>, vector<16xi32>,
    %iota3A_11 = tpu.iota {dimensions = array<i32: 0>} : vector<16xi32>
    %add3A_12 = arith.constant 32 : i32
    %add3A_13 = vector.broadcast %add3A_12 : i32 to vector<16xi32>
    %add3A_14 = arith.addi %iota3A_11, %add3A_13 : vector<16xi32>
    %swap3A_15 = arith.constant 32 : index
    %swap3A_16 = tpu.vector_load %arg7[%swap3A_15] {strides = array<i32>} : memref<80xi32, #tpu.memory_space<vmem>>, vector<16xi32>,
    tpu.vector_store %arg7[%swap3A_15], %add3A_14 {strides = array<i32>} : memref<80xi32, #tpu.memory_space<vmem>>, vector<16xi32>,
    %iota3A_17 = tpu.iota {dimensions = array<i32: 0>} : vector<16xi32>
    %add3A_18 = arith.constant 48 : i32
    %add3A_19 = vector.broadcast %add3A_18 : i32 to vector<16xi32>
    %add3A_20 = arith.addi %iota3A_17, %add3A_19 : vector<16xi32>
    %swap3A_21 = arith.constant 48 : index
    %swap3A_22 = tpu.vector_load %arg7[%swap3A_21] {strides = array<i32>} : memref<80xi32, #tpu.memory_space<vmem>>, vector<16xi32>,
    tpu.vector_store %arg7[%swap3A_21], %add3A_20 {strides = array<i32>} : memref<80xi32, #tpu.memory_space<vmem>>, vector<16xi32>,
    %iota3A_23 = tpu.iota {dimensions = array<i32: 0>} : vector<16xi32>
    %add3A_24 = arith.constant 64 : i32
    %add3A_25 = vector.broadcast %add3A_24 : i32 to vector<16xi32>
    %add3A_26 = arith.addi %iota3A_23, %add3A_25 : vector<16xi32>
    %swap3A_27 = arith.constant 64 : index
    %swap3A_28 = tpu.vector_load %arg7[%swap3A_27] {strides = array<i32>} : memref<80xi32, #tpu.memory_space<vmem>>, vector<16xi32>,
    tpu.vector_store %arg7[%swap3A_27], %add3A_26 {strides = array<i32>} : memref<80xi32, #tpu.memory_space<vmem>>, vector<16xi32>,
    "tpu.region"() ({
      %run_scoped3A = tpu.sem_alloc : memref<!tpu.dma_semaphore, #tpu.memory_space<semaphore_mem>>
      tpu.enqueue_dma source(%arg3 : memref<80x128xf32, #tpu.memory_space<hbm>>) target(%arg6 : memref<80x128xf32, #tpu.memory_space<vmem>>) target_semaphore(%run_scoped3A : memref<!tpu.dma_semaphore, #tpu.memory_space<semaphore_mem>>)
      tpu.wait_dma2 semaphore(%run_scoped3A : memref<!tpu.dma_semaphore, #tpu.memory_space<semaphore_mem>>) src(%arg3 : memref<80x128xf32, #tpu.memory_space<hbm>>) dst(%arg6 : memref<80x128xf32, #tpu.memory_space<vmem>>)
      tpu.yield
    }) : () -> ()
    %eq3A = arith.constant 0 : i32
    %eq3A_29 = arith.cmpi eq, %arg1, %eq3A : i32
    %convert_element_type3A = arith.extui %eq3A_29 : i1 to i32
    %cond3A = arith.constant 0 : i32
    %cond3A_30 = arith.cmpi ne, %convert_element_type3A, %cond3A : i32
    scf.if %cond3A_30 {
      "tpu.region"() ({
        %run_scoped3A = tpu.sem_alloc : memref<!tpu.dma_semaphore, #tpu.memory_space<semaphore_mem>>
        tpu.enqueue_dma source(%arg3 : memref<80x128xf32, #tpu.memory_space<hbm>>) target(%arg8 : memref<80x128xf32, #tpu.memory_space<vmem_shared>>) target_semaphore(%run_scoped3A : memref<!tpu.dma_semaphore, #tpu.memory_space<semaphore_mem>>)
        tpu.wait_dma2 semaphore(%run_scoped3A : memref<!tpu.dma_semaphore, #tpu.memory_space<semaphore_mem>>) src(%arg3 : memref<80x128xf32, #tpu.memory_space<hbm>>) dst(%arg8 : memref<80x128xf32, #tpu.memory_space<vmem_shared>>)
        tpu.yield
      }) : () -> ()
    } else {
    }
    "tpu.region"() ({
      %run_scoped3A = tpu.sem_alloc : memref<!tpu.dma_semaphore, #tpu.memory_space<semaphore_mem>>
      %dma_start3A = arith.constant 0 : i32
      %dma_start3A_42 = tpu.memref_slice %arg2[%add3A, %dma_start3A] : memref<32x10000xi32, #tpu.memory_space<hbm>> -> memref<1x10000xi32, #tpu.memory_space<hbm>>
      %dma_start3A_43 = tpu.memref_squeeze %dma_start3A_42 : memref<1x10000xi32, #tpu.memory_space<hbm>> -> memref<10000xi32, #tpu.memory_space<hbm>>
      %dma_start3A_44 = arith.constant 0 : i32
      %dma_start3A_45 = tpu.memref_slice %arg2[%add3A, %dma_start3A_44] : memref<32x10000xi32, #tpu.memory_space<hbm>> -> memref<1x10000xi32, #tpu.memory_space<hbm>>
      %dma_start3A_46 = tpu.memref_squeeze %dma_start3A_45 : memref<1x10000xi32, #tpu.memory_space<hbm>> -> memref<10000xi32, #tpu.memory_space<hbm>>
      tpu.enqueue_dma source(%dma_start3A_46 : memref<10000xi32, #tpu.memory_space<hbm>>) target(%arg5 : memref<10000xi32, #tpu.memory_space<vmem>>) target_semaphore(%run_scoped3A : memref<!tpu.dma_semaphore, #tpu.memory_space<semaphore_mem>>)
      %dma_wait3A = arith.constant 0 : i32
      %dma_wait3A_47 = tpu.memref_slice %arg2[%add3A, %dma_wait3A] : memref<32x10000xi32, #tpu.memory_space<hbm>> -> memref<1x10000xi32, #tpu.memory_space<hbm>>
      %dma_wait3A_48 = tpu.memref_squeeze %dma_wait3A_47 : memref<1x10000xi32, #tpu.memory_space<hbm>> -> memref<10000xi32, #tpu.memory_space<hbm>>
      %dma_wait3A_49 = arith.constant 0 : i32
      %dma_wait3A_50 = tpu.memref_slice %arg2[%add3A, %dma_wait3A_49] : memref<32x10000xi32, #tpu.memory_space<hbm>> -> memref<1x10000xi32, #tpu.memory_space<hbm>>
      %dma_wait3A_51 = tpu.memref_squeeze %dma_wait3A_50 : memref<1x10000xi32, #tpu.memory_space<hbm>> -> memref<10000xi32, #tpu.memory_space<hbm>>
      tpu.wait_dma2 semaphore(%run_scoped3A : memref<!tpu.dma_semaphore, #tpu.memory_space<semaphore_mem>>) src(%dma_wait3A_51 : memref<10000xi32, #tpu.memory_space<hbm>>) dst(%arg5 : memref<10000xi32, #tpu.memory_space<vmem>>)
      tpu.yield
    }) : () -> ()
    %barrier3A = arith.constant 0 : index
    tpu.barrier barrier_id(%barrier3A)
    %broadcast_in_dim3A = arith.constant 1.000000e+00 : f32
    %broadcast_in_dim3A_31 = vector.broadcast %broadcast_in_dim3A : f32 to vector<16xf32>
    %scan3A = arith.constant 0 : i32
    %scan3A_32 = arith.constant 0 : i32
    %scan3A_33 = arith.constant 625 : i32
    %scan3A_34 = arith.addi %scan3A_32, %scan3A_33 : i32
    %scan3A_35 = arith.constant 1 : i32
    scf.for %scan3A_42 = %scan3A_32 to %scan3A_34 step %scan3A_35  : i32 {
      %mul3A_43 = arith.constant 16 : i32
      %mul3A_44 = arith.muli %scan3A_42, %mul3A_43 : i32
      %get3A = arith.index_cast %mul3A_44 : i32 to index
      %get3A_45 = tpu.vector_load %arg5[%get3A] {strides = array<i32>} : memref<10000xi32, #tpu.memory_space<vmem>>, vector<16xi32>,
      %shift_right_logical3A = arith.constant 7 : i32
      %shift_right_logical3A_46 = vector.broadcast %shift_right_logical3A : i32 to vector<16xi32>
      %shift_right_logical3A_47 = arith.shrui %get3A_45, %shift_right_logical3A_46 : vector<16xi32>
      %and3A = arith.constant 127 : i32
      %and3A_48 = vector.broadcast %and3A : i32 to vector<16xi32>
      %and3A_49 = arith.andi %get3A_45, %and3A_48 : vector<16xi32>
      tpu.vector_store_idx %arg6[%shift_right_logical3A_47, %and3A_49], %broadcast_in_dim3A_31 {add = true} : memref<80x128xf32, #tpu.memory_space<vmem>>[vector<16xi32>, vector<16xi32>], vector<16xf32>,
    }
    %scan3A_36 = arith.constant 625 : i32
    "tpu.region"() ({
      %run_scoped3A = tpu.sem_alloc : memref<!tpu.dma_semaphore, #tpu.memory_space<semaphore_mem>>
      %dma_start3A = arith.constant 0 : i32
      %dma_start3A_42 = arith.constant 0 : i32
      %dma_start3A_43 = tpu.memref_slice %arg8[%dma_start3A, %dma_start3A_42] : memref<80x128xf32, #tpu.memory_space<vmem_shared>> -> memref<80x128xf32, #tpu.memory_space<vmem_shared>>
      tpu.enqueue_indirect_dma source(%arg6 : memref<80x128xf32, #tpu.memory_space<vmem>>) target(%dma_start3A_43 : memref<80x128xf32, #tpu.memory_space<vmem_shared>>) offsets(%arg7 : memref<80xi32, #tpu.memory_space<vmem>>) semaphore(%run_scoped3A : memref<!tpu.dma_semaphore, #tpu.memory_space<semaphore_mem>>) {add = true}
      %dma_wait3A = arith.constant 0 : i32
      %dma_wait3A_44 = arith.constant 0 : i32
      %dma_wait3A_45 = tpu.memref_slice %arg8[%dma_wait3A, %dma_wait3A_44] : memref<80x128xf32, #tpu.memory_space<vmem_shared>> -> memref<80x128xf32, #tpu.memory_space<vmem_shared>>
      tpu.wait_indirect_dma semaphore(%run_scoped3A : memref<!tpu.dma_semaphore, #tpu.memory_space<semaphore_mem>>) src(%arg6 : memref<80x128xf32, #tpu.memory_space<vmem>>) dst(%dma_wait3A_45 : memref<80x128xf32, #tpu.memory_space<vmem_shared>>)
      tpu.yield
    }) : () -> ()
    %barrier3A_37 = arith.constant 0 : index
    tpu.barrier barrier_id(%barrier3A_37)
    %lt3A = arith.constant 10 : i32
    %lt3A_38 = arith.cmpi slt, %arg1, %lt3A : i32
    %convert_element_type3A_39 = arith.extui %lt3A_38 : i1 to i32
    %cond3A_40 = arith.constant 0 : i32
    %cond3A_41 = arith.cmpi ne, %convert_element_type3A_39, %cond3A_40 : i32
    scf.if %cond3A_41 {
      %mul3A_42 = arith.constant 8 : i32
      %mul3A_43 = arith.muli %arg1, %mul3A_42 : i32
      %mul3A_44 = arith.constant 8 : i32
      %mul3A_45 = arith.muli %arg1, %mul3A_44 : i32
      "tpu.region"() ({
        %run_scoped3A = tpu.sem_alloc : memref<!tpu.dma_semaphore, #tpu.memory_space<semaphore_mem>>
        %dma_start3A = arith.constant 0 : i32
        %dma_start3A_46 = tpu.memref_slice %arg4[%arg0, %mul3A_45, %dma_start3A] : memref<2x80x128xf32, #tpu.memory_space<hbm>> -> memref<1x8x128xf32, #tpu.memory_space<hbm>>
        %dma_start3A_47 = tpu.memref_squeeze %dma_start3A_46 : memref<1x8x128xf32, #tpu.memory_space<hbm>> -> memref<8x128xf32, #tpu.memory_space<hbm>>
        %dma_start3A_48 = arith.constant 0 : i32
        %dma_start3A_49 = tpu.memref_slice %arg8[%mul3A_43, %dma_start3A_48] : memref<80x128xf32, #tpu.memory_space<vmem_shared>> -> memref<8x128xf32, #tpu.memory_space<vmem_shared>>
        tpu.enqueue_dma source(%dma_start3A_49 : memref<8x128xf32, #tpu.memory_space<vmem_shared>>) target(%dma_start3A_47 : memref<8x128xf32, #tpu.memory_space<hbm>>) target_semaphore(%run_scoped3A : memref<!tpu.dma_semaphore, #tpu.memory_space<semaphore_mem>>)
        %dma_wait3A = arith.constant 0 : i32
        %dma_wait3A_50 = tpu.memref_slice %arg4[%arg0, %mul3A_45, %dma_wait3A] : memref<2x80x128xf32, #tpu.memory_space<hbm>> -> memref<1x8x128xf32, #tpu.memory_space<hbm>>
        %dma_wait3A_51 = tpu.memref_squeeze %dma_wait3A_50 : memref<1x8x128xf32, #tpu.memory_space<hbm>> -> memref<8x128xf32, #tpu.memory_space<hbm>>
        %dma_wait3A_52 = arith.constant 0 : i32
        %dma_wait3A_53 = tpu.memref_slice %arg8[%mul3A_43, %dma_wait3A_52] : memref<80x128xf32, #tpu.memory_space<vmem_shared>> -> memref<8x128xf32, #tpu.memory_space<vmem_shared>>
        tpu.wait_dma2 semaphore(%run_scoped3A : memref<!tpu.dma_semaphore, #tpu.memory_space<semaphore_mem>>) src(%dma_wait3A_53 : memref<8x128xf32, #tpu.memory_space<vmem_shared>>) dst(%dma_wait3A_51 : memref<8x128xf32, #tpu.memory_space<hbm>>)
        tpu.yield
      }) : () -> ()
    } else {
    }
    return
  }
}

#map = affine_map<(d0, d1) -> (0, 0)>
#map1 = affine_map<(d0, d1) -> (0, 0, 0)>
module attributes {stable_mosaic.version = 14 : i64} {
  func.func @_sc_sum_body(%arg0: i32, %arg1: i32, %arg2: memref<10000x128xf32, #tpu.memory_space<hbm>>, %arg3: memref<32x10000xi32, #tpu.memory_space<hbm>>, %arg4: memref<32x125x80xi32, #tpu.memory_space<hbm>>, %arg5: memref<640x128xf32, #tpu.memory_space<hbm>>, %arg6: memref<2x10000x128xf32, #tpu.memory_space<hbm>>, %arg7: memref<10000xi32, #tpu.memory_space<vmem>>, %arg8: memref<125x80xi32, #tpu.memory_space<vmem>>, %arg9: memref<80x128xf32, #tpu.memory_space<vmem>>, %arg10: memref<80x128xf32, #tpu.memory_space<vmem>>, %arg11: memref<10000x128xf32, #tpu.memory_space<vmem_shared>>, %arg12: memref<!tpu.dma_semaphore, #tpu.memory_space<semaphore_mem>>, %arg13: memref<!tpu.dma_semaphore, #tpu.memory_space<semaphore_mem>>, %arg14: memref<!tpu.dma_semaphore, #tpu.memory_space<semaphore_mem>>) attributes {dimension_semantics = [#tpu.dimension_semantics<core_parallel>, #tpu.dimension_semantics<subcore_parallel>], iteration_bounds = array<i64: 2, 16>, scalar_prefetch = 0 : i64, scratch_operands = 8 : i64, tpu.core_type = #tpu.core_type<sc_vector_subcore>, window_params = [{transform_indices = #map}, {transform_indices = #map}, {transform_indices = #map1}, {transform_indices = #map}, {transform_indices = #map1}]} {
    %mul3A = arith.constant 2 : i32
    %mul3A_0 = arith.muli %arg1, %mul3A : i32
    %add3A = arith.addi %mul3A_0, %arg0 : i32
    %mul3A_1 = arith.constant 624 : i32
    %mul3A_2 = arith.muli %arg1, %mul3A_1 : i32
    %lt3A = arith.constant 15 : i32
    %lt3A_3 = arith.cmpi slt, %arg1, %lt3A : i32
    %convert_element_type3A = arith.extui %lt3A_3 : i1 to i32
    %cond3A = arith.constant 0 : i32
    %cond3A_4 = arith.cmpi ne, %convert_element_type3A, %cond3A : i32
    scf.if %cond3A_4 {
      %dma_start3A_76 = arith.constant 0 : i32
      %dma_start3A_77 = tpu.memref_slice %arg11[%mul3A_2, %dma_start3A_76] : memref<10000x128xf32, #tpu.memory_space<vmem_shared>> -> memref<624x128xf32, #tpu.memory_space<vmem_shared>>
      %dma_start3A_78 = arith.constant 0 : i32
      %dma_start3A_79 = arith.constant 0 : i32
      %dma_start3A_80 = tpu.memref_slice %arg5[%dma_start3A_78, %dma_start3A_79] : memref<640x128xf32, #tpu.memory_space<hbm>> -> memref<624x128xf32, #tpu.memory_space<hbm>>
      tpu.enqueue_dma source(%dma_start3A_80 : memref<624x128xf32, #tpu.memory_space<hbm>>) target(%dma_start3A_77 : memref<624x128xf32, #tpu.memory_space<vmem_shared>>) target_semaphore(%arg14 : memref<!tpu.dma_semaphore, #tpu.memory_space<semaphore_mem>>)
    } else {
    }
    %eq3A = arith.constant 15 : i32
    %eq3A_5 = arith.cmpi eq, %arg1, %eq3A : i32
    %convert_element_type3A_6 = arith.extui %eq3A_5 : i1 to i32
    %cond3A_7 = arith.constant 0 : i32
    %cond3A_8 = arith.cmpi ne, %convert_element_type3A_6, %cond3A_7 : i32
    scf.if %cond3A_8 {
      %dma_start3A_76 = arith.constant 0 : i32
      %dma_start3A_77 = tpu.memref_slice %arg11[%mul3A_2, %dma_start3A_76] : memref<10000x128xf32, #tpu.memory_space<vmem_shared>> -> memref<640x128xf32, #tpu.memory_space<vmem_shared>>
      %dma_start3A_78 = arith.constant 0 : i32
      %dma_start3A_79 = arith.constant 0 : i32
      %dma_start3A_80 = tpu.memref_slice %arg5[%dma_start3A_78, %dma_start3A_79] : memref<640x128xf32, #tpu.memory_space<hbm>> -> memref<640x128xf32, #tpu.memory_space<hbm>>
      tpu.enqueue_dma source(%dma_start3A_80 : memref<640x128xf32, #tpu.memory_space<hbm>>) target(%dma_start3A_77 : memref<640x128xf32, #tpu.memory_space<vmem_shared>>) target_semaphore(%arg14 : memref<!tpu.dma_semaphore, #tpu.memory_space<semaphore_mem>>)
    } else {
    }
    %dma_start3A = arith.constant 0 : i32
    %dma_start3A_9 = tpu.memref_slice %arg3[%add3A, %dma_start3A] : memref<32x10000xi32, #tpu.memory_space<hbm>> -> memref<1x10000xi32, #tpu.memory_space<hbm>>
    %dma_start3A_10 = tpu.memref_squeeze %dma_start3A_9 : memref<1x10000xi32, #tpu.memory_space<hbm>> -> memref<10000xi32, #tpu.memory_space<hbm>>
    %dma_start3A_11 = arith.constant 0 : i32
    %dma_start3A_12 = tpu.memref_slice %arg3[%add3A, %dma_start3A_11] : memref<32x10000xi32, #tpu.memory_space<hbm>> -> memref<1x10000xi32, #tpu.memory_space<hbm>>
    %dma_start3A_13 = tpu.memref_squeeze %dma_start3A_12 : memref<1x10000xi32, #tpu.memory_space<hbm>> -> memref<10000xi32, #tpu.memory_space<hbm>>
    tpu.enqueue_dma source(%dma_start3A_13 : memref<10000xi32, #tpu.memory_space<hbm>>) target(%arg7 : memref<10000xi32, #tpu.memory_space<vmem>>) target_semaphore(%arg12 : memref<!tpu.dma_semaphore, #tpu.memory_space<semaphore_mem>>)
    %dma_start3A_14 = arith.constant 0 : i32
    %dma_start3A_15 = arith.constant 0 : i32
    %dma_start3A_16 = tpu.memref_slice %arg4[%add3A, %dma_start3A_14, %dma_start3A_15] : memref<32x125x80xi32, #tpu.memory_space<hbm>> -> memref<1x125x80xi32, #tpu.memory_space<hbm>>
    %dma_start3A_17 = tpu.memref_squeeze %dma_start3A_16 : memref<1x125x80xi32, #tpu.memory_space<hbm>> -> memref<125x80xi32, #tpu.memory_space<hbm>>
    %dma_start3A_18 = arith.constant 0 : i32
    %dma_start3A_19 = arith.constant 0 : i32
    %dma_start3A_20 = tpu.memref_slice %arg4[%add3A, %dma_start3A_18, %dma_start3A_19] : memref<32x125x80xi32, #tpu.memory_space<hbm>> -> memref<1x125x80xi32, #tpu.memory_space<hbm>>
    %dma_start3A_21 = tpu.memref_squeeze %dma_start3A_20 : memref<1x125x80xi32, #tpu.memory_space<hbm>> -> memref<125x80xi32, #tpu.memory_space<hbm>>
    tpu.enqueue_dma source(%dma_start3A_21 : memref<125x80xi32, #tpu.memory_space<hbm>>) target(%arg8 : memref<125x80xi32, #tpu.memory_space<vmem>>) target_semaphore(%arg13 : memref<!tpu.dma_semaphore, #tpu.memory_space<semaphore_mem>>)
    %lt3A_22 = arith.constant 15 : i32
    %lt3A_23 = arith.cmpi slt, %arg1, %lt3A_22 : i32
    %convert_element_type3A_24 = arith.extui %lt3A_23 : i1 to i32
    %cond3A_25 = arith.constant 0 : i32
    %cond3A_26 = arith.cmpi ne, %convert_element_type3A_24, %cond3A_25 : i32
    scf.if %cond3A_26 {
      %dma_wait3A_76 = arith.constant 0 : i32
      %dma_wait3A_77 = tpu.memref_slice %arg11[%mul3A_2, %dma_wait3A_76] : memref<10000x128xf32, #tpu.memory_space<vmem_shared>> -> memref<624x128xf32, #tpu.memory_space<vmem_shared>>
      %dma_wait3A_78 = arith.constant 0 : i32
      %dma_wait3A_79 = arith.constant 0 : i32
      %dma_wait3A_80 = tpu.memref_slice %arg5[%dma_wait3A_78, %dma_wait3A_79] : memref<640x128xf32, #tpu.memory_space<hbm>> -> memref<624x128xf32, #tpu.memory_space<hbm>>
      tpu.wait_dma2 semaphore(%arg14 : memref<!tpu.dma_semaphore, #tpu.memory_space<semaphore_mem>>) src(%dma_wait3A_80 : memref<624x128xf32, #tpu.memory_space<hbm>>) dst(%dma_wait3A_77 : memref<624x128xf32, #tpu.memory_space<vmem_shared>>)
    } else {
    }
    %eq3A_27 = arith.constant 15 : i32
    %eq3A_28 = arith.cmpi eq, %arg1, %eq3A_27 : i32
    %convert_element_type3A_29 = arith.extui %eq3A_28 : i1 to i32
    %cond3A_30 = arith.constant 0 : i32
    %cond3A_31 = arith.cmpi ne, %convert_element_type3A_29, %cond3A_30 : i32
    scf.if %cond3A_31 {
      %dma_wait3A_76 = arith.constant 0 : i32
      %dma_wait3A_77 = tpu.memref_slice %arg11[%mul3A_2, %dma_wait3A_76] : memref<10000x128xf32, #tpu.memory_space<vmem_shared>> -> memref<640x128xf32, #tpu.memory_space<vmem_shared>>
      %dma_wait3A_78 = arith.constant 0 : i32
      %dma_wait3A_79 = arith.constant 0 : i32
      %dma_wait3A_80 = tpu.memref_slice %arg5[%dma_wait3A_78, %dma_wait3A_79] : memref<640x128xf32, #tpu.memory_space<hbm>> -> memref<640x128xf32, #tpu.memory_space<hbm>>
      tpu.wait_dma2 semaphore(%arg14 : memref<!tpu.dma_semaphore, #tpu.memory_space<semaphore_mem>>) src(%dma_wait3A_80 : memref<640x128xf32, #tpu.memory_space<hbm>>) dst(%dma_wait3A_77 : memref<640x128xf32, #tpu.memory_space<vmem_shared>>)
    } else {
    }
    %dma_wait3A = arith.constant 0 : i32
    %dma_wait3A_32 = tpu.memref_slice %arg3[%add3A, %dma_wait3A] : memref<32x10000xi32, #tpu.memory_space<hbm>> -> memref<1x10000xi32, #tpu.memory_space<hbm>>
    %dma_wait3A_33 = tpu.memref_squeeze %dma_wait3A_32 : memref<1x10000xi32, #tpu.memory_space<hbm>> -> memref<10000xi32, #tpu.memory_space<hbm>>
    %dma_wait3A_34 = arith.constant 0 : i32
    %dma_wait3A_35 = tpu.memref_slice %arg3[%add3A, %dma_wait3A_34] : memref<32x10000xi32, #tpu.memory_space<hbm>> -> memref<1x10000xi32, #tpu.memory_space<hbm>>
    %dma_wait3A_36 = tpu.memref_squeeze %dma_wait3A_35 : memref<1x10000xi32, #tpu.memory_space<hbm>> -> memref<10000xi32, #tpu.memory_space<hbm>>
    tpu.wait_dma2 semaphore(%arg12 : memref<!tpu.dma_semaphore, #tpu.memory_space<semaphore_mem>>) src(%dma_wait3A_36 : memref<10000xi32, #tpu.memory_space<hbm>>) dst(%arg7 : memref<10000xi32, #tpu.memory_space<vmem>>)
    %dma_wait3A_37 = arith.constant 0 : i32
    %dma_wait3A_38 = arith.constant 0 : i32
    %dma_wait3A_39 = tpu.memref_slice %arg4[%add3A, %dma_wait3A_37, %dma_wait3A_38] : memref<32x125x80xi32, #tpu.memory_space<hbm>> -> memref<1x125x80xi32, #tpu.memory_space<hbm>>
    %dma_wait3A_40 = tpu.memref_squeeze %dma_wait3A_39 : memref<1x125x80xi32, #tpu.memory_space<hbm>> -> memref<125x80xi32, #tpu.memory_space<hbm>>
    %dma_wait3A_41 = arith.constant 0 : i32
    %dma_wait3A_42 = arith.constant 0 : i32
    %dma_wait3A_43 = tpu.memref_slice %arg4[%add3A, %dma_wait3A_41, %dma_wait3A_42] : memref<32x125x80xi32, #tpu.memory_space<hbm>> -> memref<1x125x80xi32, #tpu.memory_space<hbm>>
    %dma_wait3A_44 = tpu.memref_squeeze %dma_wait3A_43 : memref<1x125x80xi32, #tpu.memory_space<hbm>> -> memref<125x80xi32, #tpu.memory_space<hbm>>
    tpu.wait_dma2 semaphore(%arg13 : memref<!tpu.dma_semaphore, #tpu.memory_space<semaphore_mem>>) src(%dma_wait3A_44 : memref<125x80xi32, #tpu.memory_space<hbm>>) dst(%arg8 : memref<125x80xi32, #tpu.memory_space<vmem>>)
    %barrier3A = arith.constant 0 : index
    tpu.barrier barrier_id(%barrier3A)
    %dma_start3A_45 = arith.constant 0 : i32
    %dma_start3A_46 = tpu.memref_slice %arg7[%dma_start3A_45] : memref<10000xi32, #tpu.memory_space<vmem>> -> memref<80xi32, #tpu.memory_space<vmem>>
    %dma_start3A_47 = arith.constant 0 : i32
    %dma_start3A_48 = arith.constant 0 : i32
    %dma_start3A_49 = tpu.memref_slice %arg2[%dma_start3A_47, %dma_start3A_48] : memref<10000x128xf32, #tpu.memory_space<hbm>> -> memref<10000x128xf32, #tpu.memory_space<hbm>>
    tpu.enqueue_indirect_dma source(%dma_start3A_49 : memref<10000x128xf32, #tpu.memory_space<hbm>>) target(%arg9 : memref<80x128xf32, #tpu.memory_space<vmem>>) offsets(%dma_start3A_46 : memref<80xi32, #tpu.memory_space<vmem>>) semaphore(%arg12 : memref<!tpu.dma_semaphore, #tpu.memory_space<semaphore_mem>>)
    %dma_start3A_50 = arith.constant 80 : i32
    %dma_start3A_51 = tpu.memref_slice %arg7[%dma_start3A_50] : memref<10000xi32, #tpu.memory_space<vmem>> -> memref<80xi32, #tpu.memory_space<vmem>>
    %dma_start3A_52 = arith.constant 0 : i32
    %dma_start3A_53 = arith.constant 0 : i32
    %dma_start3A_54 = tpu.memref_slice %arg2[%dma_start3A_52, %dma_start3A_53] : memref<10000x128xf32, #tpu.memory_space<hbm>> -> memref<10000x128xf32, #tpu.memory_space<hbm>>
    tpu.enqueue_indirect_dma source(%dma_start3A_54 : memref<10000x128xf32, #tpu.memory_space<hbm>>) target(%arg10 : memref<80x128xf32, #tpu.memory_space<vmem>>) offsets(%dma_start3A_51 : memref<80xi32, #tpu.memory_space<vmem>>) semaphore(%arg13 : memref<!tpu.dma_semaphore, #tpu.memory_space<semaphore_mem>>)
    %scan3A = arith.constant 0 : i32
    %scan3A_55 = arith.constant 0 : i32
    %scan3A_56 = arith.constant 62 : i32
    %scan3A_57 = arith.addi %scan3A_55, %scan3A_56 : i32
    %scan3A_58 = arith.constant 1 : i32
    scf.for %scan3A_76 = %scan3A_55 to %scan3A_57 step %scan3A_58  : i32 {
      %mul3A_77 = arith.constant 2 : i32
      %mul3A_78 = arith.muli %mul3A_77, %scan3A_76 : i32
      %add3A_79 = arith.constant 0 : i32
      %add3A_80 = arith.addi %mul3A_78, %add3A_79 : i32
      %mul3A_81 = arith.constant 80 : i32
      %mul3A_82 = arith.muli %add3A_80, %mul3A_81 : i32
      %dma_wait3A_83 = tpu.memref_slice %arg7[%mul3A_82] : memref<10000xi32, #tpu.memory_space<vmem>> -> memref<80xi32, #tpu.memory_space<vmem>>
      %dma_wait3A_84 = arith.constant 0 : i32
      %dma_wait3A_85 = arith.constant 0 : i32
      %dma_wait3A_86 = tpu.memref_slice %arg2[%dma_wait3A_84, %dma_wait3A_85] : memref<10000x128xf32, #tpu.memory_space<hbm>> -> memref<10000x128xf32, #tpu.memory_space<hbm>>
      tpu.wait_indirect_dma semaphore(%arg12 : memref<!tpu.dma_semaphore, #tpu.memory_space<semaphore_mem>>) src(%dma_wait3A_86 : memref<10000x128xf32, #tpu.memory_space<hbm>>) dst(%arg9 : memref<80x128xf32, #tpu.memory_space<vmem>>)
      "tpu.region"() ({
        %run_scoped3A_111 = tpu.sem_alloc : memref<!tpu.dma_semaphore, #tpu.memory_space<semaphore_mem>>
        %dma_start3A_112 = arith.constant 0 : i32
        %dma_start3A_113 = tpu.memref_slice %arg8[%add3A_80, %dma_start3A_112] : memref<125x80xi32, #tpu.memory_space<vmem>> -> memref<1x80xi32, #tpu.memory_space<vmem>>
        %dma_start3A_114 = tpu.memref_squeeze %dma_start3A_113 : memref<1x80xi32, #tpu.memory_space<vmem>> -> memref<80xi32, #tpu.memory_space<vmem>>
        %dma_start3A_115 = arith.constant 0 : i32
        %dma_start3A_116 = arith.constant 0 : i32
        %dma_start3A_117 = tpu.memref_slice %arg11[%dma_start3A_115, %dma_start3A_116] : memref<10000x128xf32, #tpu.memory_space<vmem_shared>> -> memref<10000x128xf32, #tpu.memory_space<vmem_shared>>
        tpu.enqueue_indirect_dma source(%arg9 : memref<80x128xf32, #tpu.memory_space<vmem>>) target(%dma_start3A_117 : memref<10000x128xf32, #tpu.memory_space<vmem_shared>>) offsets(%dma_start3A_114 : memref<80xi32, #tpu.memory_space<vmem>>) semaphore(%run_scoped3A_111 : memref<!tpu.dma_semaphore, #tpu.memory_space<semaphore_mem>>) {add = true}
        %dma_wait3A_118 = arith.constant 0 : i32
        %dma_wait3A_119 = tpu.memref_slice %arg8[%add3A_80, %dma_wait3A_118] : memref<125x80xi32, #tpu.memory_space<vmem>> -> memref<1x80xi32, #tpu.memory_space<vmem>>
        %dma_wait3A_120 = tpu.memref_squeeze %dma_wait3A_119 : memref<1x80xi32, #tpu.memory_space<vmem>> -> memref<80xi32, #tpu.memory_space<vmem>>
        %dma_wait3A_121 = arith.constant 0 : i32
        %dma_wait3A_122 = arith.constant 0 : i32
        %dma_wait3A_123 = tpu.memref_slice %arg11[%dma_wait3A_121, %dma_wait3A_122] : memref<10000x128xf32, #tpu.memory_space<vmem_shared>> -> memref<10000x128xf32, #tpu.memory_space<vmem_shared>>
        tpu.wait_indirect_dma semaphore(%run_scoped3A_111 : memref<!tpu.dma_semaphore, #tpu.memory_space<semaphore_mem>>) src(%arg9 : memref<80x128xf32, #tpu.memory_space<vmem>>) dst(%dma_wait3A_123 : memref<10000x128xf32, #tpu.memory_space<vmem_shared>>)
        tpu.yield
      }) : () -> ()
      %add3A_87 = arith.constant 2 : i32
      %add3A_88 = arith.addi %add3A_80, %add3A_87 : i32
      %lt3A_89 = arith.constant 125 : i32
      %lt3A_90 = arith.cmpi slt, %add3A_88, %lt3A_89 : i32
      %convert_element_type3A_91 = arith.extui %lt3A_90 : i1 to i32
      %cond3A_92 = arith.constant 0 : i32
      %cond3A_93 = arith.cmpi ne, %convert_element_type3A_91, %cond3A_92 : i32
      scf.if %cond3A_93 {
        %add3A_111 = arith.constant 2 : i32
        %add3A_112 = arith.addi %add3A_80, %add3A_111 : i32
        %mul3A_113 = arith.constant 80 : i32
        %mul3A_114 = arith.muli %add3A_112, %mul3A_113 : i32
        %dma_start3A_115 = tpu.memref_slice %arg7[%mul3A_114] : memref<10000xi32, #tpu.memory_space<vmem>> -> memref<80xi32, #tpu.memory_space<vmem>>
        %dma_start3A_116 = arith.constant 0 : i32
        %dma_start3A_117 = arith.constant 0 : i32
        %dma_start3A_118 = tpu.memref_slice %arg2[%dma_start3A_116, %dma_start3A_117] : memref<10000x128xf32, #tpu.memory_space<hbm>> -> memref<10000x128xf32, #tpu.memory_space<hbm>>
        tpu.enqueue_indirect_dma source(%dma_start3A_118 : memref<10000x128xf32, #tpu.memory_space<hbm>>) target(%arg9 : memref<80x128xf32, #tpu.memory_space<vmem>>) offsets(%dma_start3A_115 : memref<80xi32, #tpu.memory_space<vmem>>) semaphore(%arg12 : memref<!tpu.dma_semaphore, #tpu.memory_space<semaphore_mem>>)
      } else {
      }
      %mul3A_94 = arith.constant 2 : i32
      %mul3A_95 = arith.muli %mul3A_94, %scan3A_76 : i32
      %add3A_96 = arith.constant 1 : i32
      %add3A_97 = arith.addi %mul3A_95, %add3A_96 : i32
      %mul3A_98 = arith.constant 80 : i32
      %mul3A_99 = arith.muli %add3A_97, %mul3A_98 : i32
      %dma_wait3A_100 = tpu.memref_slice %arg7[%mul3A_99] : memref<10000xi32, #tpu.memory_space<vmem>> -> memref<80xi32, #tpu.memory_space<vmem>>
      %dma_wait3A_101 = arith.constant 0 : i32
      %dma_wait3A_102 = arith.constant 0 : i32
      %dma_wait3A_103 = tpu.memref_slice %arg2[%dma_wait3A_101, %dma_wait3A_102] : memref<10000x128xf32, #tpu.memory_space<hbm>> -> memref<10000x128xf32, #tpu.memory_space<hbm>>
      tpu.wait_indirect_dma semaphore(%arg13 : memref<!tpu.dma_semaphore, #tpu.memory_space<semaphore_mem>>) src(%dma_wait3A_103 : memref<10000x128xf32, #tpu.memory_space<hbm>>) dst(%arg10 : memref<80x128xf32, #tpu.memory_space<vmem>>)
      "tpu.region"() ({
        %run_scoped3A_111 = tpu.sem_alloc : memref<!tpu.dma_semaphore, #tpu.memory_space<semaphore_mem>>
        %dma_start3A_112 = arith.constant 0 : i32
        %dma_start3A_113 = tpu.memref_slice %arg8[%add3A_97, %dma_start3A_112] : memref<125x80xi32, #tpu.memory_space<vmem>> -> memref<1x80xi32, #tpu.memory_space<vmem>>
        %dma_start3A_114 = tpu.memref_squeeze %dma_start3A_113 : memref<1x80xi32, #tpu.memory_space<vmem>> -> memref<80xi32, #tpu.memory_space<vmem>>
        %dma_start3A_115 = arith.constant 0 : i32
        %dma_start3A_116 = arith.constant 0 : i32
        %dma_start3A_117 = tpu.memref_slice %arg11[%dma_start3A_115, %dma_start3A_116] : memref<10000x128xf32, #tpu.memory_space<vmem_shared>> -> memref<10000x128xf32, #tpu.memory_space<vmem_shared>>
        tpu.enqueue_indirect_dma source(%arg10 : memref<80x128xf32, #tpu.memory_space<vmem>>) target(%dma_start3A_117 : memref<10000x128xf32, #tpu.memory_space<vmem_shared>>) offsets(%dma_start3A_114 : memref<80xi32, #tpu.memory_space<vmem>>) semaphore(%run_scoped3A_111 : memref<!tpu.dma_semaphore, #tpu.memory_space<semaphore_mem>>) {add = true}
        %dma_wait3A_118 = arith.constant 0 : i32
        %dma_wait3A_119 = tpu.memref_slice %arg8[%add3A_97, %dma_wait3A_118] : memref<125x80xi32, #tpu.memory_space<vmem>> -> memref<1x80xi32, #tpu.memory_space<vmem>>
        %dma_wait3A_120 = tpu.memref_squeeze %dma_wait3A_119 : memref<1x80xi32, #tpu.memory_space<vmem>> -> memref<80xi32, #tpu.memory_space<vmem>>
        %dma_wait3A_121 = arith.constant 0 : i32
        %dma_wait3A_122 = arith.constant 0 : i32
        %dma_wait3A_123 = tpu.memref_slice %arg11[%dma_wait3A_121, %dma_wait3A_122] : memref<10000x128xf32, #tpu.memory_space<vmem_shared>> -> memref<10000x128xf32, #tpu.memory_space<vmem_shared>>
        tpu.wait_indirect_dma semaphore(%run_scoped3A_111 : memref<!tpu.dma_semaphore, #tpu.memory_space<semaphore_mem>>) src(%arg10 : memref<80x128xf32, #tpu.memory_space<vmem>>) dst(%dma_wait3A_123 : memref<10000x128xf32, #tpu.memory_space<vmem_shared>>)
        tpu.yield
      }) : () -> ()
      %add3A_104 = arith.constant 2 : i32
      %add3A_105 = arith.addi %add3A_97, %add3A_104 : i32
      %lt3A_106 = arith.constant 125 : i32
      %lt3A_107 = arith.cmpi slt, %add3A_105, %lt3A_106 : i32
      %convert_element_type3A_108 = arith.extui %lt3A_107 : i1 to i32
      %cond3A_109 = arith.constant 0 : i32
      %cond3A_110 = arith.cmpi ne, %convert_element_type3A_108, %cond3A_109 : i32
      scf.if %cond3A_110 {
        %add3A_111 = arith.constant 2 : i32
        %add3A_112 = arith.addi %add3A_97, %add3A_111 : i32
        %mul3A_113 = arith.constant 80 : i32
        %mul3A_114 = arith.muli %add3A_112, %mul3A_113 : i32
        %dma_start3A_115 = tpu.memref_slice %arg7[%mul3A_114] : memref<10000xi32, #tpu.memory_space<vmem>> -> memref<80xi32, #tpu.memory_space<vmem>>
        %dma_start3A_116 = arith.constant 0 : i32
        %dma_start3A_117 = arith.constant 0 : i32
        %dma_start3A_118 = tpu.memref_slice %arg2[%dma_start3A_116, %dma_start3A_117] : memref<10000x128xf32, #tpu.memory_space<hbm>> -> memref<10000x128xf32, #tpu.memory_space<hbm>>
        tpu.enqueue_indirect_dma source(%dma_start3A_118 : memref<10000x128xf32, #tpu.memory_space<hbm>>) target(%arg10 : memref<80x128xf32, #tpu.memory_space<vmem>>) offsets(%dma_start3A_115 : memref<80xi32, #tpu.memory_space<vmem>>) semaphore(%arg13 : memref<!tpu.dma_semaphore, #tpu.memory_space<semaphore_mem>>)
      } else {
      }
    }
    %scan3A_59 = arith.constant 62 : i32
    %dma_wait3A_60 = arith.constant 9920 : i32
    %dma_wait3A_61 = tpu.memref_slice %arg7[%dma_wait3A_60] : memref<10000xi32, #tpu.memory_space<vmem>> -> memref<80xi32, #tpu.memory_space<vmem>>
    %dma_wait3A_62 = arith.constant 0 : i32
    %dma_wait3A_63 = arith.constant 0 : i32
    %dma_wait3A_64 = tpu.memref_slice %arg2[%dma_wait3A_62, %dma_wait3A_63] : memref<10000x128xf32, #tpu.memory_space<hbm>> -> memref<10000x128xf32, #tpu.memory_space<hbm>>
    tpu.wait_indirect_dma semaphore(%arg12 : memref<!tpu.dma_semaphore, #tpu.memory_space<semaphore_mem>>) src(%dma_wait3A_64 : memref<10000x128xf32, #tpu.memory_space<hbm>>) dst(%arg9 : memref<80x128xf32, #tpu.memory_space<vmem>>)
    %run_scoped3A = arith.constant 124 : i32
    "tpu.region"() ({
      %run_scoped3A_76 = tpu.sem_alloc : memref<!tpu.dma_semaphore, #tpu.memory_space<semaphore_mem>>
      %dma_start3A_77 = arith.constant 0 : i32
      %dma_start3A_78 = tpu.memref_slice %arg8[%run_scoped3A, %dma_start3A_77] : memref<125x80xi32, #tpu.memory_space<vmem>> -> memref<1x80xi32, #tpu.memory_space<vmem>>
      %dma_start3A_79 = tpu.memref_squeeze %dma_start3A_78 : memref<1x80xi32, #tpu.memory_space<vmem>> -> memref<80xi32, #tpu.memory_space<vmem>>
      %dma_start3A_80 = arith.constant 0 : i32
      %dma_start3A_81 = arith.constant 0 : i32
      %dma_start3A_82 = tpu.memref_slice %arg11[%dma_start3A_80, %dma_start3A_81] : memref<10000x128xf32, #tpu.memory_space<vmem_shared>> -> memref<10000x128xf32, #tpu.memory_space<vmem_shared>>
      tpu.enqueue_indirect_dma source(%arg9 : memref<80x128xf32, #tpu.memory_space<vmem>>) target(%dma_start3A_82 : memref<10000x128xf32, #tpu.memory_space<vmem_shared>>) offsets(%dma_start3A_79 : memref<80xi32, #tpu.memory_space<vmem>>) semaphore(%run_scoped3A_76 : memref<!tpu.dma_semaphore, #tpu.memory_space<semaphore_mem>>) {add = true}
      %dma_wait3A_83 = arith.constant 0 : i32
      %dma_wait3A_84 = tpu.memref_slice %arg8[%run_scoped3A, %dma_wait3A_83] : memref<125x80xi32, #tpu.memory_space<vmem>> -> memref<1x80xi32, #tpu.memory_space<vmem>>
      %dma_wait3A_85 = tpu.memref_squeeze %dma_wait3A_84 : memref<1x80xi32, #tpu.memory_space<vmem>> -> memref<80xi32, #tpu.memory_space<vmem>>
      %dma_wait3A_86 = arith.constant 0 : i32
      %dma_wait3A_87 = arith.constant 0 : i32
      %dma_wait3A_88 = tpu.memref_slice %arg11[%dma_wait3A_86, %dma_wait3A_87] : memref<10000x128xf32, #tpu.memory_space<vmem_shared>> -> memref<10000x128xf32, #tpu.memory_space<vmem_shared>>
      tpu.wait_indirect_dma semaphore(%run_scoped3A_76 : memref<!tpu.dma_semaphore, #tpu.memory_space<semaphore_mem>>) src(%arg9 : memref<80x128xf32, #tpu.memory_space<vmem>>) dst(%dma_wait3A_88 : memref<10000x128xf32, #tpu.memory_space<vmem_shared>>)
      tpu.yield
    }) : () -> ()
    %barrier3A_65 = arith.constant 0 : index
    tpu.barrier barrier_id(%barrier3A_65)
    %lt3A_66 = arith.constant 15 : i32
    %lt3A_67 = arith.cmpi slt, %arg1, %lt3A_66 : i32
    %convert_element_type3A_68 = arith.extui %lt3A_67 : i1 to i32
    %cond3A_69 = arith.constant 0 : i32
    %cond3A_70 = arith.cmpi ne, %convert_element_type3A_68, %cond3A_69 : i32
    scf.if %cond3A_70 {
      "tpu.region"() ({
        %run_scoped3A_76 = tpu.sem_alloc : memref<!tpu.dma_semaphore, #tpu.memory_space<semaphore_mem>>
        %dma_start3A_77 = arith.constant 0 : i32
        %dma_start3A_78 = tpu.memref_slice %arg6[%arg0, %mul3A_2, %dma_start3A_77] : memref<2x10000x128xf32, #tpu.memory_space<hbm>> -> memref<1x624x128xf32, #tpu.memory_space<hbm>>
        %dma_start3A_79 = tpu.memref_squeeze %dma_start3A_78 : memref<1x624x128xf32, #tpu.memory_space<hbm>> -> memref<624x128xf32, #tpu.memory_space<hbm>>
        %dma_start3A_80 = arith.constant 0 : i32
        %dma_start3A_81 = tpu.memref_slice %arg11[%mul3A_2, %dma_start3A_80] : memref<10000x128xf32, #tpu.memory_space<vmem_shared>> -> memref<624x128xf32, #tpu.memory_space<vmem_shared>>
        tpu.enqueue_dma source(%dma_start3A_81 : memref<624x128xf32, #tpu.memory_space<vmem_shared>>) target(%dma_start3A_79 : memref<624x128xf32, #tpu.memory_space<hbm>>) target_semaphore(%run_scoped3A_76 : memref<!tpu.dma_semaphore, #tpu.memory_space<semaphore_mem>>)
        %dma_wait3A_82 = arith.constant 0 : i32
        %dma_wait3A_83 = tpu.memref_slice %arg6[%arg0, %mul3A_2, %dma_wait3A_82] : memref<2x10000x128xf32, #tpu.memory_space<hbm>> -> memref<1x624x128xf32, #tpu.memory_space<hbm>>
        %dma_wait3A_84 = tpu.memref_squeeze %dma_wait3A_83 : memref<1x624x128xf32, #tpu.memory_space<hbm>> -> memref<624x128xf32, #tpu.memory_space<hbm>>
        %dma_wait3A_85 = arith.constant 0 : i32
        %dma_wait3A_86 = tpu.memref_slice %arg11[%mul3A_2, %dma_wait3A_85] : memref<10000x128xf32, #tpu.memory_space<vmem_shared>> -> memref<624x128xf32, #tpu.memory_space<vmem_shared>>
        tpu.wait_dma2 semaphore(%run_scoped3A_76 : memref<!tpu.dma_semaphore, #tpu.memory_space<semaphore_mem>>) src(%dma_wait3A_86 : memref<624x128xf32, #tpu.memory_space<vmem_shared>>) dst(%dma_wait3A_84 : memref<624x128xf32, #tpu.memory_space<hbm>>)
        tpu.yield
      }) : () -> ()
    } else {
    }
    %eq3A_71 = arith.constant 15 : i32
    %eq3A_72 = arith.cmpi eq, %arg1, %eq3A_71 : i32
    %convert_element_type3A_73 = arith.extui %eq3A_72 : i1 to i32
    %cond3A_74 = arith.constant 0 : i32
    %cond3A_75 = arith.cmpi ne, %convert_element_type3A_73, %cond3A_74 : i32
    scf.if %cond3A_75 {
      "tpu.region"() ({
        %run_scoped3A_76 = tpu.sem_alloc : memref<!tpu.dma_semaphore, #tpu.memory_space<semaphore_mem>>
        %dma_start3A_77 = arith.constant 0 : i32
        %dma_start3A_78 = tpu.memref_slice %arg6[%arg0, %mul3A_2, %dma_start3A_77] : memref<2x10000x128xf32, #tpu.memory_space<hbm>> -> memref<1x640x128xf32, #tpu.memory_space<hbm>>
        %dma_start3A_79 = tpu.memref_squeeze %dma_start3A_78 : memref<1x640x128xf32, #tpu.memory_space<hbm>> -> memref<640x128xf32, #tpu.memory_space<hbm>>
        %dma_start3A_80 = arith.constant 0 : i32
        %dma_start3A_81 = tpu.memref_slice %arg11[%mul3A_2, %dma_start3A_80] : memref<10000x128xf32, #tpu.memory_space<vmem_shared>> -> memref<640x128xf32, #tpu.memory_space<vmem_shared>>
        tpu.enqueue_dma source(%dma_start3A_81 : memref<640x128xf32, #tpu.memory_space<vmem_shared>>) target(%dma_start3A_79 : memref<640x128xf32, #tpu.memory_space<hbm>>) target_semaphore(%run_scoped3A_76 : memref<!tpu.dma_semaphore, #tpu.memory_space<semaphore_mem>>)
        %dma_wait3A_82 = arith.constant 0 : i32
        %dma_wait3A_83 = tpu.memref_slice %arg6[%arg0, %mul3A_2, %dma_wait3A_82] : memref<2x10000x128xf32, #tpu.memory_space<hbm>> -> memref<1x640x128xf32, #tpu.memory_space<hbm>>
        %dma_wait3A_84 = tpu.memref_squeeze %dma_wait3A_83 : memref<1x640x128xf32, #tpu.memory_space<hbm>> -> memref<640x128xf32, #tpu.memory_space<hbm>>
        %dma_wait3A_85 = arith.constant 0 : i32
        %dma_wait3A_86 = tpu.memref_slice %arg11[%mul3A_2, %dma_wait3A_85] : memref<10000x128xf32, #tpu.memory_space<vmem_shared>> -> memref<640x128xf32, #tpu.memory_space<vmem_shared>>
        tpu.wait_dma2 semaphore(%run_scoped3A_76 : memref<!tpu.dma_semaphore, #tpu.memory_space<semaphore_mem>>) src(%dma_wait3A_86 : memref<640x128xf32, #tpu.memory_space<vmem_shared>>) dst(%dma_wait3A_84 : memref<640x128xf32, #tpu.memory_space<hbm>>)
        tpu.yield
      }) : () -> ()
    } else {
    }
    return
  }
}

#map = affine_map<(d0, d1) -> (0, 0)>
#map1 = affine_map<(d0, d1) -> (0, 0, 0)>
module attributes {stable_mosaic.version = 14 : i64} {
  func.func @_sc_sum_body(%arg0: i32, %arg1: i32, %arg2: memref<10000x128xf32, #tpu.memory_space<hbm>>, %arg3: memref<32x10000xi32, #tpu.memory_space<hbm>>, %arg4: memref<32x125x80xi32, #tpu.memory_space<hbm>>, %arg5: memref<640x128xf32, #tpu.memory_space<hbm>>, %arg6: memref<2x10000x128xf32, #tpu.memory_space<hbm>>, %arg7: memref<10000xi32, #tpu.memory_space<vmem>>, %arg8: memref<125x80xi32, #tpu.memory_space<vmem>>, %arg9: memref<80x128xf32, #tpu.memory_space<vmem>>, %arg10: memref<80x128xf32, #tpu.memory_space<vmem>>, %arg11: memref<10000x128xf32, #tpu.memory_space<vmem_shared>>, %arg12: memref<!tpu.dma_semaphore, #tpu.memory_space<semaphore_mem>>, %arg13: memref<!tpu.dma_semaphore, #tpu.memory_space<semaphore_mem>>, %arg14: memref<!tpu.dma_semaphore, #tpu.memory_space<semaphore_mem>>) attributes {dimension_semantics = [#tpu.dimension_semantics<core_parallel>, #tpu.dimension_semantics<subcore_parallel>], iteration_bounds = array<i64: 2, 16>, scalar_prefetch = 0 : i64, scratch_operands = 8 : i64, tpu.core_type = #tpu.core_type<sc_vector_subcore>, window_params = [{transform_indices = #map}, {transform_indices = #map}, {transform_indices = #map1}, {transform_indices = #map}, {transform_indices = #map1}]} {
    %mul3A = arith.constant 2 : i32
    %mul3A_0 = arith.muli %arg1, %mul3A : i32
    %add3A = arith.addi %mul3A_0, %arg0 : i32
    %mul3A_1 = arith.constant 624 : i32
    %mul3A_2 = arith.muli %arg1, %mul3A_1 : i32
    %lt3A = arith.constant 15 : i32
    %lt3A_3 = arith.cmpi slt, %arg1, %lt3A : i32
    %convert_element_type3A = arith.extui %lt3A_3 : i1 to i32
    %cond3A = arith.constant 0 : i32
    %cond3A_4 = arith.cmpi ne, %convert_element_type3A, %cond3A : i32
    scf.if %cond3A_4 {
      %dma_start3A_76 = arith.constant 0 : i32
      %dma_start3A_77 = tpu.memref_slice %arg11[%mul3A_2, %dma_start3A_76] : memref<10000x128xf32, #tpu.memory_space<vmem_shared>> -> memref<624x128xf32, #tpu.memory_space<vmem_shared>>
      %dma_start3A_78 = arith.constant 0 : i32
      %dma_start3A_79 = arith.constant 0 : i32
      %dma_start3A_80 = tpu.memref_slice %arg5[%dma_start3A_78, %dma_start3A_79] : memref<640x128xf32, #tpu.memory_space<hbm>> -> memref<624x128xf32, #tpu.memory_space<hbm>>
      tpu.enqueue_dma source(%dma_start3A_80 : memref<624x128xf32, #tpu.memory_space<hbm>>) target(%dma_start3A_77 : memref<624x128xf32, #tpu.memory_space<vmem_shared>>) target_semaphore(%arg14 : memref<!tpu.dma_semaphore, #tpu.memory_space<semaphore_mem>>)
    } else {
    }
    %eq3A = arith.constant 15 : i32
    %eq3A_5 = arith.cmpi eq, %arg1, %eq3A : i32
    %convert_element_type3A_6 = arith.extui %eq3A_5 : i1 to i32
    %cond3A_7 = arith.constant 0 : i32
    %cond3A_8 = arith.cmpi ne, %convert_element_type3A_6, %cond3A_7 : i32
    scf.if %cond3A_8 {
      %dma_start3A_76 = arith.constant 0 : i32
      %dma_start3A_77 = tpu.memref_slice %arg11[%mul3A_2, %dma_start3A_76] : memref<10000x128xf32, #tpu.memory_space<vmem_shared>> -> memref<640x128xf32, #tpu.memory_space<vmem_shared>>
      %dma_start3A_78 = arith.constant 0 : i32
      %dma_start3A_79 = arith.constant 0 : i32
      %dma_start3A_80 = tpu.memref_slice %arg5[%dma_start3A_78, %dma_start3A_79] : memref<640x128xf32, #tpu.memory_space<hbm>> -> memref<640x128xf32, #tpu.memory_space<hbm>>
      tpu.enqueue_dma source(%dma_start3A_80 : memref<640x128xf32, #tpu.memory_space<hbm>>) target(%dma_start3A_77 : memref<640x128xf32, #tpu.memory_space<vmem_shared>>) target_semaphore(%arg14 : memref<!tpu.dma_semaphore, #tpu.memory_space<semaphore_mem>>)
    } else {
    }
    %dma_start3A = arith.constant 0 : i32
    %dma_start3A_9 = tpu.memref_slice %arg3[%add3A, %dma_start3A] : memref<32x10000xi32, #tpu.memory_space<hbm>> -> memref<1x10000xi32, #tpu.memory_space<hbm>>
    %dma_start3A_10 = tpu.memref_squeeze %dma_start3A_9 : memref<1x10000xi32, #tpu.memory_space<hbm>> -> memref<10000xi32, #tpu.memory_space<hbm>>
    %dma_start3A_11 = arith.constant 0 : i32
    %dma_start3A_12 = tpu.memref_slice %arg3[%add3A, %dma_start3A_11] : memref<32x10000xi32, #tpu.memory_space<hbm>> -> memref<1x10000xi32, #tpu.memory_space<hbm>>
    %dma_start3A_13 = tpu.memref_squeeze %dma_start3A_12 : memref<1x10000xi32, #tpu.memory_space<hbm>> -> memref<10000xi32, #tpu.memory_space<hbm>>
    tpu.enqueue_dma source(%dma_start3A_13 : memref<10000xi32, #tpu.memory_space<hbm>>) target(%arg7 : memref<10000xi32, #tpu.memory_space<vmem>>) target_semaphore(%arg12 : memref<!tpu.dma_semaphore, #tpu.memory_space<semaphore_mem>>)
    %dma_start3A_14 = arith.constant 0 : i32
    %dma_start3A_15 = arith.constant 0 : i32
    %dma_start3A_16 = tpu.memref_slice %arg4[%add3A, %dma_start3A_14, %dma_start3A_15] : memref<32x125x80xi32, #tpu.memory_space<hbm>> -> memref<1x125x80xi32, #tpu.memory_space<hbm>>
    %dma_start3A_17 = tpu.memref_squeeze %dma_start3A_16 : memref<1x125x80xi32, #tpu.memory_space<hbm>> -> memref<125x80xi32, #tpu.memory_space<hbm>>
    %dma_start3A_18 = arith.constant 0 : i32
    %dma_start3A_19 = arith.constant 0 : i32
    %dma_start3A_20 = tpu.memref_slice %arg4[%add3A, %dma_start3A_18, %dma_start3A_19] : memref<32x125x80xi32, #tpu.memory_space<hbm>> -> memref<1x125x80xi32, #tpu.memory_space<hbm>>
    %dma_start3A_21 = tpu.memref_squeeze %dma_start3A_20 : memref<1x125x80xi32, #tpu.memory_space<hbm>> -> memref<125x80xi32, #tpu.memory_space<hbm>>
    tpu.enqueue_dma source(%dma_start3A_21 : memref<125x80xi32, #tpu.memory_space<hbm>>) target(%arg8 : memref<125x80xi32, #tpu.memory_space<vmem>>) target_semaphore(%arg13 : memref<!tpu.dma_semaphore, #tpu.memory_space<semaphore_mem>>)
    %lt3A_22 = arith.constant 15 : i32
    %lt3A_23 = arith.cmpi slt, %arg1, %lt3A_22 : i32
    %convert_element_type3A_24 = arith.extui %lt3A_23 : i1 to i32
    %cond3A_25 = arith.constant 0 : i32
    %cond3A_26 = arith.cmpi ne, %convert_element_type3A_24, %cond3A_25 : i32
    scf.if %cond3A_26 {
      %dma_wait3A_76 = arith.constant 0 : i32
      %dma_wait3A_77 = tpu.memref_slice %arg11[%mul3A_2, %dma_wait3A_76] : memref<10000x128xf32, #tpu.memory_space<vmem_shared>> -> memref<624x128xf32, #tpu.memory_space<vmem_shared>>
      %dma_wait3A_78 = arith.constant 0 : i32
      %dma_wait3A_79 = arith.constant 0 : i32
      %dma_wait3A_80 = tpu.memref_slice %arg5[%dma_wait3A_78, %dma_wait3A_79] : memref<640x128xf32, #tpu.memory_space<hbm>> -> memref<624x128xf32, #tpu.memory_space<hbm>>
      tpu.wait_dma2 semaphore(%arg14 : memref<!tpu.dma_semaphore, #tpu.memory_space<semaphore_mem>>) src(%dma_wait3A_80 : memref<624x128xf32, #tpu.memory_space<hbm>>) dst(%dma_wait3A_77 : memref<624x128xf32, #tpu.memory_space<vmem_shared>>)
    } else {
    }
    %eq3A_27 = arith.constant 15 : i32
    %eq3A_28 = arith.cmpi eq, %arg1, %eq3A_27 : i32
    %convert_element_type3A_29 = arith.extui %eq3A_28 : i1 to i32
    %cond3A_30 = arith.constant 0 : i32
    %cond3A_31 = arith.cmpi ne, %convert_element_type3A_29, %cond3A_30 : i32
    scf.if %cond3A_31 {
      %dma_wait3A_76 = arith.constant 0 : i32
      %dma_wait3A_77 = tpu.memref_slice %arg11[%mul3A_2, %dma_wait3A_76] : memref<10000x128xf32, #tpu.memory_space<vmem_shared>> -> memref<640x128xf32, #tpu.memory_space<vmem_shared>>
      %dma_wait3A_78 = arith.constant 0 : i32
      %dma_wait3A_79 = arith.constant 0 : i32
      %dma_wait3A_80 = tpu.memref_slice %arg5[%dma_wait3A_78, %dma_wait3A_79] : memref<640x128xf32, #tpu.memory_space<hbm>> -> memref<640x128xf32, #tpu.memory_space<hbm>>
      tpu.wait_dma2 semaphore(%arg14 : memref<!tpu.dma_semaphore, #tpu.memory_space<semaphore_mem>>) src(%dma_wait3A_80 : memref<640x128xf32, #tpu.memory_space<hbm>>) dst(%dma_wait3A_77 : memref<640x128xf32, #tpu.memory_space<vmem_shared>>)
    } else {
    }
    %dma_wait3A = arith.constant 0 : i32
    %dma_wait3A_32 = tpu.memref_slice %arg3[%add3A, %dma_wait3A] : memref<32x10000xi32, #tpu.memory_space<hbm>> -> memref<1x10000xi32, #tpu.memory_space<hbm>>
    %dma_wait3A_33 = tpu.memref_squeeze %dma_wait3A_32 : memref<1x10000xi32, #tpu.memory_space<hbm>> -> memref<10000xi32, #tpu.memory_space<hbm>>
    %dma_wait3A_34 = arith.constant 0 : i32
    %dma_wait3A_35 = tpu.memref_slice %arg3[%add3A, %dma_wait3A_34] : memref<32x10000xi32, #tpu.memory_space<hbm>> -> memref<1x10000xi32, #tpu.memory_space<hbm>>
    %dma_wait3A_36 = tpu.memref_squeeze %dma_wait3A_35 : memref<1x10000xi32, #tpu.memory_space<hbm>> -> memref<10000xi32, #tpu.memory_space<hbm>>
    tpu.wait_dma2 semaphore(%arg12 : memref<!tpu.dma_semaphore, #tpu.memory_space<semaphore_mem>>) src(%dma_wait3A_36 : memref<10000xi32, #tpu.memory_space<hbm>>) dst(%arg7 : memref<10000xi32, #tpu.memory_space<vmem>>)
    %dma_wait3A_37 = arith.constant 0 : i32
    %dma_wait3A_38 = arith.constant 0 : i32
    %dma_wait3A_39 = tpu.memref_slice %arg4[%add3A, %dma_wait3A_37, %dma_wait3A_38] : memref<32x125x80xi32, #tpu.memory_space<hbm>> -> memref<1x125x80xi32, #tpu.memory_space<hbm>>
    %dma_wait3A_40 = tpu.memref_squeeze %dma_wait3A_39 : memref<1x125x80xi32, #tpu.memory_space<hbm>> -> memref<125x80xi32, #tpu.memory_space<hbm>>
    %dma_wait3A_41 = arith.constant 0 : i32
    %dma_wait3A_42 = arith.constant 0 : i32
    %dma_wait3A_43 = tpu.memref_slice %arg4[%add3A, %dma_wait3A_41, %dma_wait3A_42] : memref<32x125x80xi32, #tpu.memory_space<hbm>> -> memref<1x125x80xi32, #tpu.memory_space<hbm>>
    %dma_wait3A_44 = tpu.memref_squeeze %dma_wait3A_43 : memref<1x125x80xi32, #tpu.memory_space<hbm>> -> memref<125x80xi32, #tpu.memory_space<hbm>>
    tpu.wait_dma2 semaphore(%arg13 : memref<!tpu.dma_semaphore, #tpu.memory_space<semaphore_mem>>) src(%dma_wait3A_44 : memref<125x80xi32, #tpu.memory_space<hbm>>) dst(%arg8 : memref<125x80xi32, #tpu.memory_space<vmem>>)
    %barrier3A = arith.constant 0 : index
    tpu.barrier barrier_id(%barrier3A)
    %dma_start3A_45 = arith.constant 0 : i32
    %dma_start3A_46 = tpu.memref_slice %arg7[%dma_start3A_45] : memref<10000xi32, #tpu.memory_space<vmem>> -> memref<80xi32, #tpu.memory_space<vmem>>
    %dma_start3A_47 = arith.constant 0 : i32
    %dma_start3A_48 = arith.constant 0 : i32
    %dma_start3A_49 = tpu.memref_slice %arg2[%dma_start3A_47, %dma_start3A_48] : memref<10000x128xf32, #tpu.memory_space<hbm>> -> memref<10000x128xf32, #tpu.memory_space<hbm>>
    tpu.enqueue_indirect_dma source(%dma_start3A_49 : memref<10000x128xf32, #tpu.memory_space<hbm>>) target(%arg9 : memref<80x128xf32, #tpu.memory_space<vmem>>) offsets(%dma_start3A_46 : memref<80xi32, #tpu.memory_space<vmem>>) semaphore(%arg12 : memref<!tpu.dma_semaphore, #tpu.memory_space<semaphore_mem>>)
    %dma_start3A_50 = arith.constant 80 : i32
    %dma_start3A_51 = tpu.memref_slice %arg7[%dma_start3A_50] : memref<10000xi32, #tpu.memory_space<vmem>> -> memref<80xi32, #tpu.memory_space<vmem>>
    %dma_start3A_52 = arith.constant 0 : i32
    %dma_start3A_53 = arith.constant 0 : i32
    %dma_start3A_54 = tpu.memref_slice %arg2[%dma_start3A_52, %dma_start3A_53] : memref<10000x128xf32, #tpu.memory_space<hbm>> -> memref<10000x128xf32, #tpu.memory_space<hbm>>
    tpu.enqueue_indirect_dma source(%dma_start3A_54 : memref<10000x128xf32, #tpu.memory_space<hbm>>) target(%arg10 : memref<80x128xf32, #tpu.memory_space<vmem>>) offsets(%dma_start3A_51 : memref<80xi32, #tpu.memory_space<vmem>>) semaphore(%arg13 : memref<!tpu.dma_semaphore, #tpu.memory_space<semaphore_mem>>)
    %scan3A = arith.constant 0 : i32
    %scan3A_55 = arith.constant 0 : i32
    %scan3A_56 = arith.constant 62 : i32
    %scan3A_57 = arith.addi %scan3A_55, %scan3A_56 : i32
    %scan3A_58 = arith.constant 1 : i32
    scf.for %scan3A_76 = %scan3A_55 to %scan3A_57 step %scan3A_58  : i32 {
      %mul3A_77 = arith.constant 2 : i32
      %mul3A_78 = arith.muli %mul3A_77, %scan3A_76 : i32
      %add3A_79 = arith.constant 0 : i32
      %add3A_80 = arith.addi %mul3A_78, %add3A_79 : i32
      %mul3A_81 = arith.constant 80 : i32
      %mul3A_82 = arith.muli %add3A_80, %mul3A_81 : i32
      %dma_wait3A_83 = tpu.memref_slice %arg7[%mul3A_82] : memref<10000xi32, #tpu.memory_space<vmem>> -> memref<80xi32, #tpu.memory_space<vmem>>
      %dma_wait3A_84 = arith.constant 0 : i32
      %dma_wait3A_85 = arith.constant 0 : i32
      %dma_wait3A_86 = tpu.memref_slice %arg2[%dma_wait3A_84, %dma_wait3A_85] : memref<10000x128xf32, #tpu.memory_space<hbm>> -> memref<10000x128xf32, #tpu.memory_space<hbm>>
      tpu.wait_indirect_dma semaphore(%arg12 : memref<!tpu.dma_semaphore, #tpu.memory_space<semaphore_mem>>) src(%dma_wait3A_86 : memref<10000x128xf32, #tpu.memory_space<hbm>>) dst(%arg9 : memref<80x128xf32, #tpu.memory_space<vmem>>)
      "tpu.region"() ({
        %run_scoped3A_111 = tpu.sem_alloc : memref<!tpu.dma_semaphore, #tpu.memory_space<semaphore_mem>>
        %dma_start3A_112 = arith.constant 0 : i32
        %dma_start3A_113 = tpu.memref_slice %arg8[%add3A_80, %dma_start3A_112] : memref<125x80xi32, #tpu.memory_space<vmem>> -> memref<1x80xi32, #tpu.memory_space<vmem>>
        %dma_start3A_114 = tpu.memref_squeeze %dma_start3A_113 : memref<1x80xi32, #tpu.memory_space<vmem>> -> memref<80xi32, #tpu.memory_space<vmem>>
        %dma_start3A_115 = arith.constant 0 : i32
        %dma_start3A_116 = arith.constant 0 : i32
        %dma_start3A_117 = tpu.memref_slice %arg11[%dma_start3A_115, %dma_start3A_116] : memref<10000x128xf32, #tpu.memory_space<vmem_shared>> -> memref<10000x128xf32, #tpu.memory_space<vmem_shared>>
        tpu.enqueue_indirect_dma source(%arg9 : memref<80x128xf32, #tpu.memory_space<vmem>>) target(%dma_start3A_117 : memref<10000x128xf32, #tpu.memory_space<vmem_shared>>) offsets(%dma_start3A_114 : memref<80xi32, #tpu.memory_space<vmem>>) semaphore(%run_scoped3A_111 : memref<!tpu.dma_semaphore, #tpu.memory_space<semaphore_mem>>) {add = true}
        %dma_wait3A_118 = arith.constant 0 : i32
        %dma_wait3A_119 = tpu.memref_slice %arg8[%add3A_80, %dma_wait3A_118] : memref<125x80xi32, #tpu.memory_space<vmem>> -> memref<1x80xi32, #tpu.memory_space<vmem>>
        %dma_wait3A_120 = tpu.memref_squeeze %dma_wait3A_119 : memref<1x80xi32, #tpu.memory_space<vmem>> -> memref<80xi32, #tpu.memory_space<vmem>>
        %dma_wait3A_121 = arith.constant 0 : i32
        %dma_wait3A_122 = arith.constant 0 : i32
        %dma_wait3A_123 = tpu.memref_slice %arg11[%dma_wait3A_121, %dma_wait3A_122] : memref<10000x128xf32, #tpu.memory_space<vmem_shared>> -> memref<10000x128xf32, #tpu.memory_space<vmem_shared>>
        tpu.wait_indirect_dma semaphore(%run_scoped3A_111 : memref<!tpu.dma_semaphore, #tpu.memory_space<semaphore_mem>>) src(%arg9 : memref<80x128xf32, #tpu.memory_space<vmem>>) dst(%dma_wait3A_123 : memref<10000x128xf32, #tpu.memory_space<vmem_shared>>)
        tpu.yield
      }) : () -> ()
      %add3A_87 = arith.constant 2 : i32
      %add3A_88 = arith.addi %add3A_80, %add3A_87 : i32
      %lt3A_89 = arith.constant 125 : i32
      %lt3A_90 = arith.cmpi slt, %add3A_88, %lt3A_89 : i32
      %convert_element_type3A_91 = arith.extui %lt3A_90 : i1 to i32
      %cond3A_92 = arith.constant 0 : i32
      %cond3A_93 = arith.cmpi ne, %convert_element_type3A_91, %cond3A_92 : i32
      scf.if %cond3A_93 {
        %add3A_111 = arith.constant 2 : i32
        %add3A_112 = arith.addi %add3A_80, %add3A_111 : i32
        %mul3A_113 = arith.constant 80 : i32
        %mul3A_114 = arith.muli %add3A_112, %mul3A_113 : i32
        %dma_start3A_115 = tpu.memref_slice %arg7[%mul3A_114] : memref<10000xi32, #tpu.memory_space<vmem>> -> memref<80xi32, #tpu.memory_space<vmem>>
        %dma_start3A_116 = arith.constant 0 : i32
        %dma_start3A_117 = arith.constant 0 : i32
        %dma_start3A_118 = tpu.memref_slice %arg2[%dma_start3A_116, %dma_start3A_117] : memref<10000x128xf32, #tpu.memory_space<hbm>> -> memref<10000x128xf32, #tpu.memory_space<hbm>>
        tpu.enqueue_indirect_dma source(%dma_start3A_118 : memref<10000x128xf32, #tpu.memory_space<hbm>>) target(%arg9 : memref<80x128xf32, #tpu.memory_space<vmem>>) offsets(%dma_start3A_115 : memref<80xi32, #tpu.memory_space<vmem>>) semaphore(%arg12 : memref<!tpu.dma_semaphore, #tpu.memory_space<semaphore_mem>>)
      } else {
      }
      %mul3A_94 = arith.constant 2 : i32
      %mul3A_95 = arith.muli %mul3A_94, %scan3A_76 : i32
      %add3A_96 = arith.constant 1 : i32
      %add3A_97 = arith.addi %mul3A_95, %add3A_96 : i32
      %mul3A_98 = arith.constant 80 : i32
      %mul3A_99 = arith.muli %add3A_97, %mul3A_98 : i32
      %dma_wait3A_100 = tpu.memref_slice %arg7[%mul3A_99] : memref<10000xi32, #tpu.memory_space<vmem>> -> memref<80xi32, #tpu.memory_space<vmem>>
      %dma_wait3A_101 = arith.constant 0 : i32
      %dma_wait3A_102 = arith.constant 0 : i32
      %dma_wait3A_103 = tpu.memref_slice %arg2[%dma_wait3A_101, %dma_wait3A_102] : memref<10000x128xf32, #tpu.memory_space<hbm>> -> memref<10000x128xf32, #tpu.memory_space<hbm>>
      tpu.wait_indirect_dma semaphore(%arg13 : memref<!tpu.dma_semaphore, #tpu.memory_space<semaphore_mem>>) src(%dma_wait3A_103 : memref<10000x128xf32, #tpu.memory_space<hbm>>) dst(%arg10 : memref<80x128xf32, #tpu.memory_space<vmem>>)
      "tpu.region"() ({
        %run_scoped3A_111 = tpu.sem_alloc : memref<!tpu.dma_semaphore, #tpu.memory_space<semaphore_mem>>
        %dma_start3A_112 = arith.constant 0 : i32
        %dma_start3A_113 = tpu.memref_slice %arg8[%add3A_97, %dma_start3A_112] : memref<125x80xi32, #tpu.memory_space<vmem>> -> memref<1x80xi32, #tpu.memory_space<vmem>>
        %dma_start3A_114 = tpu.memref_squeeze %dma_start3A_113 : memref<1x80xi32, #tpu.memory_space<vmem>> -> memref<80xi32, #tpu.memory_space<vmem>>
        %dma_start3A_115 = arith.constant 0 : i32
        %dma_start3A_116 = arith.constant 0 : i32
        %dma_start3A_117 = tpu.memref_slice %arg11[%dma_start3A_115, %dma_start3A_116] : memref<10000x128xf32, #tpu.memory_space<vmem_shared>> -> memref<10000x128xf32, #tpu.memory_space<vmem_shared>>
        tpu.enqueue_indirect_dma source(%arg10 : memref<80x128xf32, #tpu.memory_space<vmem>>) target(%dma_start3A_117 : memref<10000x128xf32, #tpu.memory_space<vmem_shared>>) offsets(%dma_start3A_114 : memref<80xi32, #tpu.memory_space<vmem>>) semaphore(%run_scoped3A_111 : memref<!tpu.dma_semaphore, #tpu.memory_space<semaphore_mem>>) {add = true}
        %dma_wait3A_118 = arith.constant 0 : i32
        %dma_wait3A_119 = tpu.memref_slice %arg8[%add3A_97, %dma_wait3A_118] : memref<125x80xi32, #tpu.memory_space<vmem>> -> memref<1x80xi32, #tpu.memory_space<vmem>>
        %dma_wait3A_120 = tpu.memref_squeeze %dma_wait3A_119 : memref<1x80xi32, #tpu.memory_space<vmem>> -> memref<80xi32, #tpu.memory_space<vmem>>
        %dma_wait3A_121 = arith.constant 0 : i32
        %dma_wait3A_122 = arith.constant 0 : i32
        %dma_wait3A_123 = tpu.memref_slice %arg11[%dma_wait3A_121, %dma_wait3A_122] : memref<10000x128xf32, #tpu.memory_space<vmem_shared>> -> memref<10000x128xf32, #tpu.memory_space<vmem_shared>>
        tpu.wait_indirect_dma semaphore(%run_scoped3A_111 : memref<!tpu.dma_semaphore, #tpu.memory_space<semaphore_mem>>) src(%arg10 : memref<80x128xf32, #tpu.memory_space<vmem>>) dst(%dma_wait3A_123 : memref<10000x128xf32, #tpu.memory_space<vmem_shared>>)
        tpu.yield
      }) : () -> ()
      %add3A_104 = arith.constant 2 : i32
      %add3A_105 = arith.addi %add3A_97, %add3A_104 : i32
      %lt3A_106 = arith.constant 125 : i32
      %lt3A_107 = arith.cmpi slt, %add3A_105, %lt3A_106 : i32
      %convert_element_type3A_108 = arith.extui %lt3A_107 : i1 to i32
      %cond3A_109 = arith.constant 0 : i32
      %cond3A_110 = arith.cmpi ne, %convert_element_type3A_108, %cond3A_109 : i32
      scf.if %cond3A_110 {
        %add3A_111 = arith.constant 2 : i32
        %add3A_112 = arith.addi %add3A_97, %add3A_111 : i32
        %mul3A_113 = arith.constant 80 : i32
        %mul3A_114 = arith.muli %add3A_112, %mul3A_113 : i32
        %dma_start3A_115 = tpu.memref_slice %arg7[%mul3A_114] : memref<10000xi32, #tpu.memory_space<vmem>> -> memref<80xi32, #tpu.memory_space<vmem>>
        %dma_start3A_116 = arith.constant 0 : i32
        %dma_start3A_117 = arith.constant 0 : i32
        %dma_start3A_118 = tpu.memref_slice %arg2[%dma_start3A_116, %dma_start3A_117] : memref<10000x128xf32, #tpu.memory_space<hbm>> -> memref<10000x128xf32, #tpu.memory_space<hbm>>
        tpu.enqueue_indirect_dma source(%dma_start3A_118 : memref<10000x128xf32, #tpu.memory_space<hbm>>) target(%arg10 : memref<80x128xf32, #tpu.memory_space<vmem>>) offsets(%dma_start3A_115 : memref<80xi32, #tpu.memory_space<vmem>>) semaphore(%arg13 : memref<!tpu.dma_semaphore, #tpu.memory_space<semaphore_mem>>)
      } else {
      }
    }
    %scan3A_59 = arith.constant 62 : i32
    %dma_wait3A_60 = arith.constant 9920 : i32
    %dma_wait3A_61 = tpu.memref_slice %arg7[%dma_wait3A_60] : memref<10000xi32, #tpu.memory_space<vmem>> -> memref<80xi32, #tpu.memory_space<vmem>>
    %dma_wait3A_62 = arith.constant 0 : i32
    %dma_wait3A_63 = arith.constant 0 : i32
    %dma_wait3A_64 = tpu.memref_slice %arg2[%dma_wait3A_62, %dma_wait3A_63] : memref<10000x128xf32, #tpu.memory_space<hbm>> -> memref<10000x128xf32, #tpu.memory_space<hbm>>
    tpu.wait_indirect_dma semaphore(%arg12 : memref<!tpu.dma_semaphore, #tpu.memory_space<semaphore_mem>>) src(%dma_wait3A_64 : memref<10000x128xf32, #tpu.memory_space<hbm>>) dst(%arg9 : memref<80x128xf32, #tpu.memory_space<vmem>>)
    %run_scoped3A = arith.constant 124 : i32
    "tpu.region"() ({
      %run_scoped3A_76 = tpu.sem_alloc : memref<!tpu.dma_semaphore, #tpu.memory_space<semaphore_mem>>
      %dma_start3A_77 = arith.constant 0 : i32
      %dma_start3A_78 = tpu.memref_slice %arg8[%run_scoped3A, %dma_start3A_77] : memref<125x80xi32, #tpu.memory_space<vmem>> -> memref<1x80xi32, #tpu.memory_space<vmem>>
      %dma_start3A_79 = tpu.memref_squeeze %dma_start3A_78 : memref<1x80xi32, #tpu.memory_space<vmem>> -> memref<80xi32, #tpu.memory_space<vmem>>
      %dma_start3A_80 = arith.constant 0 : i32
      %dma_start3A_81 = arith.constant 0 : i32
      %dma_start3A_82 = tpu.memref_slice %arg11[%dma_start3A_80, %dma_start3A_81] : memref<10000x128xf32, #tpu.memory_space<vmem_shared>> -> memref<10000x128xf32, #tpu.memory_space<vmem_shared>>
      tpu.enqueue_indirect_dma source(%arg9 : memref<80x128xf32, #tpu.memory_space<vmem>>) target(%dma_start3A_82 : memref<10000x128xf32, #tpu.memory_space<vmem_shared>>) offsets(%dma_start3A_79 : memref<80xi32, #tpu.memory_space<vmem>>) semaphore(%run_scoped3A_76 : memref<!tpu.dma_semaphore, #tpu.memory_space<semaphore_mem>>) {add = true}
      %dma_wait3A_83 = arith.constant 0 : i32
      %dma_wait3A_84 = tpu.memref_slice %arg8[%run_scoped3A, %dma_wait3A_83] : memref<125x80xi32, #tpu.memory_space<vmem>> -> memref<1x80xi32, #tpu.memory_space<vmem>>
      %dma_wait3A_85 = tpu.memref_squeeze %dma_wait3A_84 : memref<1x80xi32, #tpu.memory_space<vmem>> -> memref<80xi32, #tpu.memory_space<vmem>>
      %dma_wait3A_86 = arith.constant 0 : i32
      %dma_wait3A_87 = arith.constant 0 : i32
      %dma_wait3A_88 = tpu.memref_slice %arg11[%dma_wait3A_86, %dma_wait3A_87] : memref<10000x128xf32, #tpu.memory_space<vmem_shared>> -> memref<10000x128xf32, #tpu.memory_space<vmem_shared>>
      tpu.wait_indirect_dma semaphore(%run_scoped3A_76 : memref<!tpu.dma_semaphore, #tpu.memory_space<semaphore_mem>>) src(%arg9 : memref<80x128xf32, #tpu.memory_space<vmem>>) dst(%dma_wait3A_88 : memref<10000x128xf32, #tpu.memory_space<vmem_shared>>)
      tpu.yield
    }) : () -> ()
    %barrier3A_65 = arith.constant 0 : index
    tpu.barrier barrier_id(%barrier3A_65)
    %lt3A_66 = arith.constant 15 : i32
    %lt3A_67 = arith.cmpi slt, %arg1, %lt3A_66 : i32
    %convert_element_type3A_68 = arith.extui %lt3A_67 : i1 to i32
    %cond3A_69 = arith.constant 0 : i32
    %cond3A_70 = arith.cmpi ne, %convert_element_type3A_68, %cond3A_69 : i32
    scf.if %cond3A_70 {
      "tpu.region"() ({
        %run_scoped3A_76 = tpu.sem_alloc : memref<!tpu.dma_semaphore, #tpu.memory_space<semaphore_mem>>
        %dma_start3A_77 = arith.constant 0 : i32
        %dma_start3A_78 = tpu.memref_slice %arg6[%arg0, %mul3A_2, %dma_start3A_77] : memref<2x10000x128xf32, #tpu.memory_space<hbm>> -> memref<1x624x128xf32, #tpu.memory_space<hbm>>
        %dma_start3A_79 = tpu.memref_squeeze %dma_start3A_78 : memref<1x624x128xf32, #tpu.memory_space<hbm>> -> memref<624x128xf32, #tpu.memory_space<hbm>>
        %dma_start3A_80 = arith.constant 0 : i32
        %dma_start3A_81 = tpu.memref_slice %arg11[%mul3A_2, %dma_start3A_80] : memref<10000x128xf32, #tpu.memory_space<vmem_shared>> -> memref<624x128xf32, #tpu.memory_space<vmem_shared>>
        tpu.enqueue_dma source(%dma_start3A_81 : memref<624x128xf32, #tpu.memory_space<vmem_shared>>) target(%dma_start3A_79 : memref<624x128xf32, #tpu.memory_space<hbm>>) target_semaphore(%run_scoped3A_76 : memref<!tpu.dma_semaphore, #tpu.memory_space<semaphore_mem>>)
        %dma_wait3A_82 = arith.constant 0 : i32
        %dma_wait3A_83 = tpu.memref_slice %arg6[%arg0, %mul3A_2, %dma_wait3A_82] : memref<2x10000x128xf32, #tpu.memory_space<hbm>> -> memref<1x624x128xf32, #tpu.memory_space<hbm>>
        %dma_wait3A_84 = tpu.memref_squeeze %dma_wait3A_83 : memref<1x624x128xf32, #tpu.memory_space<hbm>> -> memref<624x128xf32, #tpu.memory_space<hbm>>
        %dma_wait3A_85 = arith.constant 0 : i32
        %dma_wait3A_86 = tpu.memref_slice %arg11[%mul3A_2, %dma_wait3A_85] : memref<10000x128xf32, #tpu.memory_space<vmem_shared>> -> memref<624x128xf32, #tpu.memory_space<vmem_shared>>
        tpu.wait_dma2 semaphore(%run_scoped3A_76 : memref<!tpu.dma_semaphore, #tpu.memory_space<semaphore_mem>>) src(%dma_wait3A_86 : memref<624x128xf32, #tpu.memory_space<vmem_shared>>) dst(%dma_wait3A_84 : memref<624x128xf32, #tpu.memory_space<hbm>>)
        tpu.yield
      }) : () -> ()
    } else {
    }
    %eq3A_71 = arith.constant 15 : i32
    %eq3A_72 = arith.cmpi eq, %arg1, %eq3A_71 : i32
    %convert_element_type3A_73 = arith.extui %eq3A_72 : i1 to i32
    %cond3A_74 = arith.constant 0 : i32
    %cond3A_75 = arith.cmpi ne, %convert_element_type3A_73, %cond3A_74 : i32
    scf.if %cond3A_75 {
      "tpu.region"() ({
        %run_scoped3A_76 = tpu.sem_alloc : memref<!tpu.dma_semaphore, #tpu.memory_space<semaphore_mem>>
        %dma_start3A_77 = arith.constant 0 : i32
        %dma_start3A_78 = tpu.memref_slice %arg6[%arg0, %mul3A_2, %dma_start3A_77] : memref<2x10000x128xf32, #tpu.memory_space<hbm>> -> memref<1x640x128xf32, #tpu.memory_space<hbm>>
        %dma_start3A_79 = tpu.memref_squeeze %dma_start3A_78 : memref<1x640x128xf32, #tpu.memory_space<hbm>> -> memref<640x128xf32, #tpu.memory_space<hbm>>
        %dma_start3A_80 = arith.constant 0 : i32
        %dma_start3A_81 = tpu.memref_slice %arg11[%mul3A_2, %dma_start3A_80] : memref<10000x128xf32, #tpu.memory_space<vmem_shared>> -> memref<640x128xf32, #tpu.memory_space<vmem_shared>>
        tpu.enqueue_dma source(%dma_start3A_81 : memref<640x128xf32, #tpu.memory_space<vmem_shared>>) target(%dma_start3A_79 : memref<640x128xf32, #tpu.memory_space<hbm>>) target_semaphore(%run_scoped3A_76 : memref<!tpu.dma_semaphore, #tpu.memory_space<semaphore_mem>>)
        %dma_wait3A_82 = arith.constant 0 : i32
        %dma_wait3A_83 = tpu.memref_slice %arg6[%arg0, %mul3A_2, %dma_wait3A_82] : memref<2x10000x128xf32, #tpu.memory_space<hbm>> -> memref<1x640x128xf32, #tpu.memory_space<hbm>>
        %dma_wait3A_84 = tpu.memref_squeeze %dma_wait3A_83 : memref<1x640x128xf32, #tpu.memory_space<hbm>> -> memref<640x128xf32, #tpu.memory_space<hbm>>
        %dma_wait3A_85 = arith.constant 0 : i32
        %dma_wait3A_86 = tpu.memref_slice %arg11[%mul3A_2, %dma_wait3A_85] : memref<10000x128xf32, #tpu.memory_space<vmem_shared>> -> memref<640x128xf32, #tpu.memory_space<vmem_shared>>
        tpu.wait_dma2 semaphore(%run_scoped3A_76 : memref<!tpu.dma_semaphore, #tpu.memory_space<semaphore_mem>>) src(%dma_wait3A_86 : memref<640x128xf32, #tpu.memory_space<vmem_shared>>) dst(%dma_wait3A_84 : memref<640x128xf32, #tpu.memory_space<hbm>>)
        tpu.yield
      }) : () -> ()
    } else {
    }
    return
  }
}

module attributes {stable_mosaic.version = 14 : i64} {
  func.func @_tc_body(%arg0: i32, %arg1: memref<2x400x128xf32, #tpu.memory_space<vmem>>, %arg2: memref<2x400x1xf32, #tpu.memory_space<vmem>>, %arg3: memref<400x128xf32, #tpu.memory_space<vmem>>, %arg4: memref<128x128xf32, #tpu.memory_space<vmem>>, %arg5: memref<128x128xf32, #tpu.memory_space<vmem>>, %arg6: memref<1x128xf32, #tpu.memory_space<vmem>>, %arg7: memref<400x128xf32, #tpu.memory_space<vmem>>) attributes {dimension_semantics = [#tpu.dimension_semantics<arbitrary>], iteration_bounds = array<i64: 25>, scalar_prefetch = 0 : i64, scratch_operands = 0 : i64, tpu.core_type = #tpu.core_type<tc>, window_params = [{transform_indices = @transform_0, window_bounds = array<i64: 2, 400, 128>}, {transform_indices = @transform_1, window_bounds = array<i64: 2, 400, 1>}, {transform_indices = @transform_2, window_bounds = array<i64: 400, 128>}, {pipeline_mode = #tpu.pipeline_mode<synchronous>, transform_indices = @transform_3, window_bounds = array<i64: 128, 128>}, {pipeline_mode = #tpu.pipeline_mode<synchronous>, transform_indices = @transform_4, window_bounds = array<i64: 128, 128>}, {pipeline_mode = #tpu.pipeline_mode<synchronous>, transform_indices = @transform_5, window_bounds = array<i64: 1, 128>}, {transform_indices = @transform_6, window_bounds = array<i64: 400, 128>}]} {
    %get3A = arith.constant 0 : index
    %get3A_0 = arith.constant 0 : index
    %get3A_1 = arith.constant 0 : index
    %get3A_2 = vector.load %arg1[%get3A, %get3A_0, %get3A_1] : memref<2x400x128xf32, #tpu.memory_space<vmem>>, vector<1x400x128xf32>
    %get3A_3 = vector.shape_cast %get3A_2 : vector<1x400x128xf32> to vector<400x128xf32>
    %get3A_4 = arith.constant 1 : index
    %get3A_5 = arith.constant 0 : index
    %get3A_6 = arith.constant 0 : index
    %get3A_7 = vector.load %arg1[%get3A_4, %get3A_5, %get3A_6] : memref<2x400x128xf32, #tpu.memory_space<vmem>>, vector<1x400x128xf32>
    %get3A_8 = vector.shape_cast %get3A_7 : vector<1x400x128xf32> to vector<400x128xf32>
    %add3A = arith.addf %get3A_3, %get3A_8 : vector<400x128xf32>
    %get3A_9 = arith.constant 0 : index
    %get3A_10 = arith.constant 0 : index
    %get3A_11 = arith.constant 0 : index
    %get3A_12 = vector.load %arg2[%get3A_9, %get3A_10, %get3A_11] : memref<2x400x1xf32, #tpu.memory_space<vmem>>, vector<1x400x1xf32>
    %get3A_13 = vector.shape_cast %get3A_12 : vector<1x400x1xf32> to vector<400x1xf32>
    %get3A_14 = arith.constant 1 : index
    %get3A_15 = arith.constant 0 : index
    %get3A_16 = arith.constant 0 : index
    %get3A_17 = vector.load %arg2[%get3A_14, %get3A_15, %get3A_16] : memref<2x400x1xf32, #tpu.memory_space<vmem>>, vector<1x400x1xf32>
    %get3A_18 = vector.shape_cast %get3A_17 : vector<1x400x1xf32> to vector<400x1xf32>
    %add3A_19 = arith.addf %get3A_13, %get3A_18 : vector<400x1xf32>
    %max3A = arith.constant 1.000000e+00 : f32
    %max3A_20 = vector.broadcast %max3A : f32 to vector<400x1xf32>
    %max3A_21 = arith.maximumf %add3A_19, %max3A_20 : vector<400x1xf32>
    %div3A = vector.broadcast %max3A_21 : vector<400x1xf32> to vector<400x128xf32>
    %div3A_22 = arith.divf %add3A, %div3A : vector<400x128xf32>
    %get3A_23 = arith.constant 0 : index
    %get3A_24 = arith.constant 0 : index
    %get3A_25 = vector.load %arg4[%get3A_23, %get3A_24] : memref<128x128xf32, #tpu.memory_space<vmem>>, vector<128x128xf32>
    %dot_general3A = arith.constant dense<0.000000e+00> : vector<400x128xf32>
    %dot_general3A_26 = tpu.matmul %div3A_22, %get3A_25, %dot_general3A {dimension_numbers = #tpu.dot_dimension_numbers<[1], [0], [0], [1], [0, 0, 1, 1], [], []>, transpose_lhs_hint = false} : vector<400x128xf32>, vector<128x128xf32>, vector<400x128xf32> -> vector<400x128xf32>
    %get3A_27 = arith.constant 0 : index
    %get3A_28 = arith.constant 0 : index
    %get3A_29 = vector.load %arg3[%get3A_27, %get3A_28] : memref<400x128xf32, #tpu.memory_space<vmem>>, vector<400x128xf32>
    %get3A_30 = arith.constant 0 : index
    %get3A_31 = arith.constant 0 : index
    %get3A_32 = vector.load %arg5[%get3A_30, %get3A_31] : memref<128x128xf32, #tpu.memory_space<vmem>>, vector<128x128xf32>
    %dot_general3A_33 = arith.constant dense<0.000000e+00> : vector<400x128xf32>
    %dot_general3A_34 = tpu.matmul %get3A_29, %get3A_32, %dot_general3A_33 {dimension_numbers = #tpu.dot_dimension_numbers<[1], [0], [0], [1], [0, 0, 1, 1], [], []>, transpose_lhs_hint = false} : vector<400x128xf32>, vector<128x128xf32>, vector<400x128xf32> -> vector<400x128xf32>
    %add3A_35 = arith.addf %dot_general3A_26, %dot_general3A_34 : vector<400x128xf32>
    %get3A_36 = arith.constant 0 : index
    %get3A_37 = arith.constant 0 : index
    %get3A_38 = vector.load %arg6[%get3A_36, %get3A_37] : memref<1x128xf32, #tpu.memory_space<vmem>>, vector<1x128xf32>
    %add3A_39 = vector.broadcast %get3A_38 : vector<1x128xf32> to vector<400x128xf32>
    %add3A_40 = arith.addf %add3A_35, %add3A_39 : vector<400x128xf32>
    %max3A_41 = arith.constant 0.000000e+00 : f32
    %max3A_42 = vector.broadcast %max3A_41 : f32 to vector<400x128xf32>
    %max3A_43 = arith.maximumf %add3A_40, %max3A_42 : vector<400x128xf32>
    %swap3A = arith.constant 0 : index
    %swap3A_44 = arith.constant 0 : index
    %swap3A_45 = vector.load %arg7[%swap3A, %swap3A_44] : memref<400x128xf32, #tpu.memory_space<vmem>>, vector<400x128xf32>
    tpu.vector_store %arg7[%swap3A, %swap3A_44], %max3A_43 {strides = array<i32>} : memref<400x128xf32, #tpu.memory_space<vmem>>, vector<400x128xf32>,
    return
  }
  func.func @transform_0(%arg0: i32) -> (i32, i32, i32) {
    %c0_i32 = arith.constant 0 : i32
    %c0_i32_0 = arith.constant 0 : i32
    %c0_i32_1 = arith.constant 0 : i32
    return %c0_i32, %arg0, %c0_i32_0 : i32, i32, i32
  }
  func.func @transform_1(%arg0: i32) -> (i32, i32, i32) {
    %c0_i32 = arith.constant 0 : i32
    %c0_i32_0 = arith.constant 0 : i32
    %c0_i32_1 = arith.constant 0 : i32
    return %c0_i32, %arg0, %c0_i32_0 : i32, i32, i32
  }
  func.func @transform_2(%arg0: i32) -> (i32, i32) {
    %c0_i32 = arith.constant 0 : i32
    %c0_i32_0 = arith.constant 0 : i32
    return %arg0, %c0_i32 : i32, i32
  }
  func.func @transform_3(%arg0: i32) -> (i32, i32) {
    %c0_i32 = arith.constant 0 : i32
    %c0_i32_0 = arith.constant 0 : i32
    %c0_i32_1 = arith.constant 0 : i32
    return %c0_i32, %c0_i32_0 : i32, i32
  }
  func.func @transform_4(%arg0: i32) -> (i32, i32) {
    %c0_i32 = arith.constant 0 : i32
    %c0_i32_0 = arith.constant 0 : i32
    %c0_i32_1 = arith.constant 0 : i32
    return %c0_i32, %c0_i32_0 : i32, i32
  }
  func.func @transform_5(%arg0: i32) -> (i32, i32) {
    %c0_i32 = arith.constant 0 : i32
    %c0_i32_0 = arith.constant 0 : i32
    %c0_i32_1 = arith.constant 0 : i32
    return %c0_i32, %c0_i32_0 : i32, i32
  }
  func.func @transform_6(%arg0: i32) -> (i32, i32) {
    %c0_i32 = arith.constant 0 : i32
    %c0_i32_0 = arith.constant 0 : i32
    return %arg0, %c0_i32 : i32, i32
  }
}

module attributes {stable_mosaic.version = 14 : i64} {
  func.func @_tc_body(%arg0: i32, %arg1: memref<2x400x128xf32, #tpu.memory_space<vmem>>, %arg2: memref<2x400x1xf32, #tpu.memory_space<vmem>>, %arg3: memref<400x128xf32, #tpu.memory_space<vmem>>, %arg4: memref<128x128xf32, #tpu.memory_space<vmem>>, %arg5: memref<128x128xf32, #tpu.memory_space<vmem>>, %arg6: memref<1x128xf32, #tpu.memory_space<vmem>>, %arg7: memref<400x128xf32, #tpu.memory_space<vmem>>) attributes {dimension_semantics = [#tpu.dimension_semantics<arbitrary>], iteration_bounds = array<i64: 25>, scalar_prefetch = 0 : i64, scratch_operands = 0 : i64, tpu.core_type = #tpu.core_type<tc>, window_params = [{transform_indices = @transform_0, window_bounds = array<i64: 2, 400, 128>}, {transform_indices = @transform_1, window_bounds = array<i64: 2, 400, 1>}, {transform_indices = @transform_2, window_bounds = array<i64: 400, 128>}, {pipeline_mode = #tpu.pipeline_mode<synchronous>, transform_indices = @transform_3, window_bounds = array<i64: 128, 128>}, {pipeline_mode = #tpu.pipeline_mode<synchronous>, transform_indices = @transform_4, window_bounds = array<i64: 128, 128>}, {pipeline_mode = #tpu.pipeline_mode<synchronous>, transform_indices = @transform_5, window_bounds = array<i64: 1, 128>}, {transform_indices = @transform_6, window_bounds = array<i64: 400, 128>}]} {
    %get3A = arith.constant 0 : index
    %get3A_0 = arith.constant 0 : index
    %get3A_1 = arith.constant 0 : index
    %get3A_2 = vector.load %arg1[%get3A, %get3A_0, %get3A_1] : memref<2x400x128xf32, #tpu.memory_space<vmem>>, vector<1x400x128xf32>
    %get3A_3 = vector.shape_cast %get3A_2 : vector<1x400x128xf32> to vector<400x128xf32>
    %get3A_4 = arith.constant 1 : index
    %get3A_5 = arith.constant 0 : index
    %get3A_6 = arith.constant 0 : index
    %get3A_7 = vector.load %arg1[%get3A_4, %get3A_5, %get3A_6] : memref<2x400x128xf32, #tpu.memory_space<vmem>>, vector<1x400x128xf32>
    %get3A_8 = vector.shape_cast %get3A_7 : vector<1x400x128xf32> to vector<400x128xf32>
    %add3A = arith.addf %get3A_3, %get3A_8 : vector<400x128xf32>
    %get3A_9 = arith.constant 0 : index
    %get3A_10 = arith.constant 0 : index
    %get3A_11 = arith.constant 0 : index
    %get3A_12 = vector.load %arg2[%get3A_9, %get3A_10, %get3A_11] : memref<2x400x1xf32, #tpu.memory_space<vmem>>, vector<1x400x1xf32>
    %get3A_13 = vector.shape_cast %get3A_12 : vector<1x400x1xf32> to vector<400x1xf32>
    %get3A_14 = arith.constant 1 : index
    %get3A_15 = arith.constant 0 : index
    %get3A_16 = arith.constant 0 : index
    %get3A_17 = vector.load %arg2[%get3A_14, %get3A_15, %get3A_16] : memref<2x400x1xf32, #tpu.memory_space<vmem>>, vector<1x400x1xf32>
    %get3A_18 = vector.shape_cast %get3A_17 : vector<1x400x1xf32> to vector<400x1xf32>
    %add3A_19 = arith.addf %get3A_13, %get3A_18 : vector<400x1xf32>
    %max3A = arith.constant 1.000000e+00 : f32
    %max3A_20 = vector.broadcast %max3A : f32 to vector<400x1xf32>
    %max3A_21 = arith.maximumf %add3A_19, %max3A_20 : vector<400x1xf32>
    %div3A = vector.broadcast %max3A_21 : vector<400x1xf32> to vector<400x128xf32>
    %div3A_22 = arith.divf %add3A, %div3A : vector<400x128xf32>
    %get3A_23 = arith.constant 0 : index
    %get3A_24 = arith.constant 0 : index
    %get3A_25 = vector.load %arg4[%get3A_23, %get3A_24] : memref<128x128xf32, #tpu.memory_space<vmem>>, vector<128x128xf32>
    %dot_general3A = arith.constant dense<0.000000e+00> : vector<400x128xf32>
    %dot_general3A_26 = tpu.matmul %div3A_22, %get3A_25, %dot_general3A {dimension_numbers = #tpu.dot_dimension_numbers<[1], [0], [0], [1], [0, 0, 1, 1], [], []>, transpose_lhs_hint = false} : vector<400x128xf32>, vector<128x128xf32>, vector<400x128xf32> -> vector<400x128xf32>
    %get3A_27 = arith.constant 0 : index
    %get3A_28 = arith.constant 0 : index
    %get3A_29 = vector.load %arg3[%get3A_27, %get3A_28] : memref<400x128xf32, #tpu.memory_space<vmem>>, vector<400x128xf32>
    %get3A_30 = arith.constant 0 : index
    %get3A_31 = arith.constant 0 : index
    %get3A_32 = vector.load %arg5[%get3A_30, %get3A_31] : memref<128x128xf32, #tpu.memory_space<vmem>>, vector<128x128xf32>
    %dot_general3A_33 = arith.constant dense<0.000000e+00> : vector<400x128xf32>
    %dot_general3A_34 = tpu.matmul %get3A_29, %get3A_32, %dot_general3A_33 {dimension_numbers = #tpu.dot_dimension_numbers<[1], [0], [0], [1], [0, 0, 1, 1], [], []>, transpose_lhs_hint = false} : vector<400x128xf32>, vector<128x128xf32>, vector<400x128xf32> -> vector<400x128xf32>
    %add3A_35 = arith.addf %dot_general3A_26, %dot_general3A_34 : vector<400x128xf32>
    %get3A_36 = arith.constant 0 : index
    %get3A_37 = arith.constant 0 : index
    %get3A_38 = vector.load %arg6[%get3A_36, %get3A_37] : memref<1x128xf32, #tpu.memory_space<vmem>>, vector<1x128xf32>
    %add3A_39 = vector.broadcast %get3A_38 : vector<1x128xf32> to vector<400x128xf32>
    %add3A_40 = arith.addf %add3A_35, %add3A_39 : vector<400x128xf32>
    %swap3A = arith.constant 0 : index
    %swap3A_41 = arith.constant 0 : index
    %swap3A_42 = vector.load %arg7[%swap3A, %swap3A_41] : memref<400x128xf32, #tpu.memory_space<vmem>>, vector<400x128xf32>
    tpu.vector_store %arg7[%swap3A, %swap3A_41], %add3A_40 {strides = array<i32>} : memref<400x128xf32, #tpu.memory_space<vmem>>, vector<400x128xf32>,
    return
  }
  func.func @transform_0(%arg0: i32) -> (i32, i32, i32) {
    %c0_i32 = arith.constant 0 : i32
    %c0_i32_0 = arith.constant 0 : i32
    %c0_i32_1 = arith.constant 0 : i32
    return %c0_i32, %arg0, %c0_i32_0 : i32, i32, i32
  }
  func.func @transform_1(%arg0: i32) -> (i32, i32, i32) {
    %c0_i32 = arith.constant 0 : i32
    %c0_i32_0 = arith.constant 0 : i32
    %c0_i32_1 = arith.constant 0 : i32
    return %c0_i32, %arg0, %c0_i32_0 : i32, i32, i32
  }
  func.func @transform_2(%arg0: i32) -> (i32, i32) {
    %c0_i32 = arith.constant 0 : i32
    %c0_i32_0 = arith.constant 0 : i32
    return %arg0, %c0_i32 : i32, i32
  }
  func.func @transform_3(%arg0: i32) -> (i32, i32) {
    %c0_i32 = arith.constant 0 : i32
    %c0_i32_0 = arith.constant 0 : i32
    %c0_i32_1 = arith.constant 0 : i32
    return %c0_i32, %c0_i32_0 : i32, i32
  }
  func.func @transform_4(%arg0: i32) -> (i32, i32) {
    %c0_i32 = arith.constant 0 : i32
    %c0_i32_0 = arith.constant 0 : i32
    %c0_i32_1 = arith.constant 0 : i32
    return %c0_i32, %c0_i32_0 : i32, i32
  }
  func.func @transform_5(%arg0: i32) -> (i32, i32) {
    %c0_i32 = arith.constant 0 : i32
    %c0_i32_0 = arith.constant 0 : i32
    %c0_i32_1 = arith.constant 0 : i32
    return %c0_i32, %c0_i32_0 : i32, i32
  }
  func.func @transform_6(%arg0: i32) -> (i32, i32) {
    %c0_i32 = arith.constant 0 : i32
    %c0_i32_0 = arith.constant 0 : i32
    return %arg0, %c0_i32 : i32, i32
  }
}

</mosaic_0001>

<sc_bundles>
// kernel: kernel.10.cloned.1.call-start
scs
__scs_entry_jumppad:
0x0: {  	(pc) =	sbr.rel $0x88, $3  }
0x1: {  	(tag) =	ssettag $0x0;
	lr =	simm.s32 $0x1  }
0x2: {  	[smem:$0x3F99] =	sst lr;
	_ =	strace $0xD0000000  }
0x3: {  	_ = 	snop  }
0x4: {  	_ = 	snop  }
0x5: {  	_ = 	snop  }
0x6: {  	_ = 	snop  }
0x7: {  	_ = 	snop  }
__scs_overlays_trampoline_lowered:
0x8: {  	[smem:$0x3FA8] =	sst s0  }
0x9: {  	[smem:$0x3FA9] =	sst s1  }
0xa: {  	[smem:$0x3FAA] =	sst s2  }
0xb: {  	[smem:$0x3FAB] =	sst s3  }
0xc: {  	[smem:$0x3FAC] =	sst s4  }
0xd: {  	[smem:$0x3FAD] =	sst s5  }
0xe: {  	[smem:$0x3FAE] =	sst s6  }
0xf: {  	[smem:$0x3FAF] =	sst s7  }
0x10: {  	[smem:$0x3FB0] =	sst s8  }
0x11: {  	[smem:$0x3FB1] =	sst s9;
	s0 =	simm.s32 @!p0 $0x0  }
0x12: {  	s1 =	sld [smem:$0x3F97];
	s0 =	simm.s32 @p0 $0x1  }
0x13: {  	[smem:$0x3FB2] =	sst s0;
	s0 =	simm.s32 @!p1 $0x0  }
0x14: {  	s2 =	sld [smem:$0x3F96];
	s0 =	simm.s32 @p1 $0x1  }
0x15: {  	[smem:$0x3FB3] =	sst s0;
	s0 =	simm.s32 @!p2 $0x0  }
0x16: {  	s3 =	sld [smem:$0x3FDB];
	s0 =	simm.s32 @p2 $0x1  }
0x17: {  	s4 =	simm.s32 $0x1BF5;
	[smem:$0x3FB5] =	sst s0  }
0x18: {  	s0 =	sld [smem:$0x3F98];
	_ =	swait.ge [sflag:s4], $0x0  }
0x19: {  	s7 =	sld [smem:$0x3F99]  }
0x1a: {  	s8 =	sadd.s32 $0xFFFFE003, lr  }
0x1b: {  	s9 =	sadd.s32 $0xFFFFFEF7, lr;
	s5 =	simm.s32 $0xFFFFFFFF;
	p2 =	slt.u32 s8, $0xFFFFF086  }
0x1c: {  	p1 =	slt.u32 s9, $0xF7A;
	s5 =	simm.s32 @!p2 $0x0  }
0x1d: {  	s5 =	simm.s32 @p1 $0x1;
	p0 =	seq.s32 s7, s2  }
0x1e: {  	s7 =	smul.u32 @!p0 $0xF7A, s2;
	p2 =	seq.s32 @!p0 s5, $0x0  }
0x1f: {  	s9 =	smul.u32 $0xF7A, s1;
	s8 =	simm.s32 @!p0 $0x1BF5;
	p2 =	por !p2, p0  }
0x20: {  	[sflag:s8] =	ssyncset.s32 @!p0 $0xFFFFF086;
	s6 =	sadd.s32 @!p0 s3, s7;
	s7 =	simm.s32 @!p0 $0x108  }
0x21: {  	s3 =	sadd.s32 s3, s9;
	s6 =	sadd.s32 @!p0 $0x88, s6;
	s7 =	simm.s32 @p2 $0x1082  }
0x22: {  	[simem:s7], [sflag:s8] =	dma.local @!p0 [hbm:s6], $0xF7A  }
0x23: {  	s9 =	sor.u32 $0xD0000000, s2;
	s6 =	simm.s32 $0x108;
	_ =	swait.ge @!p0 [sflag:s8], $0x0  }
0x24: {  	s3 =	sadd.s32 $0x88, s3;
	s6 =	simm.s32 @!p1 $0x1082;
	[sflag:s4] =	ssyncset.s32 $0xFFFFF086  }
0x25: {  	[simem:s6], [sflag:s4] =	dma.local [hbm:s3], $0xF7A  }
0x26: {  	[smem:$0x3F99] =	sst s1;
	(tag) =	ssettag s2;
	_ =	strace s9  }
0x27: {  	s1 =	sld [smem:$0x3FA9]  }
0x28: {  	s2 =	sld [smem:$0x3FAA]  }
0x29: {  	s4 =	sld [smem:$0x3FAC]  }
0x2a: {  	p0 =	seq.s32 s5, $0x0;
	s5 =	sld [smem:$0x3FAD]  }
0x2b: {  	s6 =	sld [smem:$0x3FAE]  }
0x2c: {  	s7 =	sld [smem:$0x3FAF]  }
0x2d: {  	s3 =	simm.s32 $0x108;
	s8 =	sld [smem:$0x3FB0]  }
0x2e: {  	s3 =	simm.s32 @!p0 $0x1082;
	s9 =	sld [smem:$0x3FB1]  }
0x2f: {  	lr =	sadd.s32 s0, s3;
	s0 =	sld [smem:$0x3FA8]  }
0x30: {  	s3 =	sld [smem:$0x3FAB]  }
0x31: {  	[smem:$0x3FB4] =	sst s10  }
0x32: {  	s10 =	sld [smem:$0x3FB2];
	_ =	sdelay $0x3  }
0x33: {  	p0 =	seq.s32 s10, $0x1;
	s10 =	sld [smem:$0x3FB4];
	_ =	sdelay $0x3  }
0x34: {  	[smem:$0x3FB4] =	sst s10  }
0x35: {  	s10 =	sld [smem:$0x3FB3];
	_ =	sdelay $0x3  }
0x36: {  	p1 =	seq.s32 s10, $0x1;
	s10 =	sld [smem:$0x3FB4];
	_ =	sdelay $0x3  }
0x37: {  	[smem:$0x3FB4] =	sst s10  }
0x38: {  	s10 =	sld [smem:$0x3FB5]  }
0x39: {  	_ = 	snop;
	(pc) =	sbr.ind lr, $3  }
0x3a: {  	_ = 	snop  }
0x3b: {  	_ = 	snop  }
0x3c: {  	p2 =	seq.s32 s10, $0x1;
	s10 =	sld [smem:$0x3FB4]  }
0x3d: {  	_ =	shalt  }
0x3e: {  	_ =	shalt  }
0x3f: {  	_ =	shalt  }
0x40: {  	_ =	shalt  }
0x41: {  	_ =	shalt  }
0x42: {  	_ =	shalt  }
0x43: {  	_ =	shalt  }
0x44: {  	_ =	shalt  }
0x45: {  	_ =	shalt  }
0x46: {  	_ =	shalt  }
0x47: {  	_ =	shalt  }
0x48: {  	_ =	shalt  }
0x49: {  	_ =	shalt  }
0x4a: {  	_ =	shalt  }
0x4b: {  	_ =	shalt  }
0x4c: {  	_ =	shalt  }
0x4d: {  	_ =	shalt  }
0x4e: {  	_ =	shalt  }
0x4f: {  	_ =	shalt  }
0x50: {  	_ =	shalt  }
0x51: {  	_ =	shalt  }
0x52: {  	_ =	shalt  }
0x53: {  	_ =	shalt  }
0x54: {  	_ =	shalt  }
0x55: {  	_ =	shalt  }
0x56: {  	_ =	shalt  }
0x57: {  	_ =	shalt  }
0x58: {  	_ =	shalt  }
0x59: {  	_ =	shalt  }
0x5a: {  	_ =	shalt  }
0x5b: {  	_ =	shalt  }
0x5c: {  	_ =	shalt  }
0x5d: {  	_ =	shalt  }
0x5e: {  	_ =	shalt  }
0x5f: {  	_ =	shalt  }
0x60: {  	_ =	shalt  }
0x61: {  	_ =	shalt  }
0x62: {  	_ =	shalt  }
0x63: {  	_ =	shalt  }
0x64: {  	_ =	shalt  }
0x65: {  	_ =	shalt  }
0x66: {  	_ =	shalt  }
0x67: {  	_ =	shalt  }
0x68: {  	_ =	shalt  }
0x69: {  	_ =	shalt  }
0x6a: {  	_ =	shalt  }
0x6b: {  	_ =	shalt  }
0x6c: {  	_ =	shalt  }
0x6d: {  	_ =	shalt  }
0x6e: {  	_ =	shalt  }
0x6f: {  	_ =	shalt  }
0x70: {  	_ =	shalt  }
0x71: {  	_ =	shalt  }
0x72: {  	_ =	shalt  }
0x73: {  	_ =	shalt  }
0x74: {  	_ =	shalt  }
0x75: {  	_ =	shalt  }
0x76: {  	_ =	shalt  }
0x77: {  	_ =	shalt  }
0x78: {  	_ =	shalt  }
0x79: {  	_ =	shalt  }
0x7a: {  	_ =	shalt  }
0x7b: {  	_ =	shalt  }
0x7c: {  	_ =	shalt  }
0x7d: {  	_ =	shalt  }
0x7e: {  	_ =	shalt  }
0x7f: {  	_ =	shalt  }
0x80: {  	_ =	shalt  }
0x81: {  	_ =	shalt  }
0x82: {  	_ =	shalt  }
0x83: {  	_ =	shalt  }
0x84: {  	_ =	shalt  }
0x85: {  	_ =	shalt  }
0x86: {  	_ =	shalt  }
0x87: {  	_ =	shalt  }
.Lfunc_end0:
.L_simem_size_0:
called_computation.1_lowered:
.L_overlay_start_0:
0x88: {  	s2 =	sld [smem:$0x3FD9]  }
0x89: {  	s3 =	sld [smem:$0x3FFE];
	_ =	sdelay $0x1  }
0x8a: {  	s1 =	srdreg.scid  }
0x8b: {  	s0 =	sand.u32 $0x1, s1  }
0x8c: {  	s17 =	sshll.u32 s0, $0xA;
	s2 =	sadd.s32 s3, s2  }
0x8d: {  	s2 =	sadd.s32 s2, s17  }
0x8e: {  	[smem:$0x3FC0] =	sst s2  }
0x8f: {  	_ = 	snop  }
0x90: {  	s18 =	sld [smem:$0x3FC9];
	(tm) =	ssettm $0x1  }
0x91: {  	s19 =	sld [smem:$0x3FFB];
	_ =	sdelay $0x3  }
0x92: {  	_ =	strace s19  }
0x93: {  	s2 =	sld [smem:$0x3FFC];
	_ =	sdelay $0x3  }
0x94: {  	_ =	strace s2  }
0x95: {  	s2 =	sld [smem:$0x3FFD];
	_ =	sdelay $0x3  }
0x96: {  	_ =	strace s2  }
0x97: {  	_ =	strace $0x8FFFFFFF  }
0x98: {  	s20 =	sld [smem:$0x3FDB];
	_ =	sdelay $0x1  }
0x99: {  	s4 =	simm.s32 $_scs_section_size  }
0x9a: {  	s5 =	simm.s32 $_size__tile_overlayer_lowered;
	s6 =	simm.s32 $_tile_overlayer_lowered  }
0x9b: {  	s7 =	simm.s32 $0x1BFF;
	s21 =	sshll.u32 s6, $0x1;
	s4 =	sadd.s32 s4, s20  }
0x9c: {  	s22 =	simm.s32 $0x0;
	s5 =	sshll.u32 s5, $0x1;
	s6 =	sadd.s32 s21, s4  }
0x9d: {  	[timem:s22], [sflag:s7] =	dma.local [hbm:s6], s5  }
0x9e: {  	_ =	swait.ge [sflag:s7], s5  }
0x9f: {  	s5 =	ssub.s32 $0x0, s5;
	[sflag:s7] =	ssyncset.done $0x0  }
0xa0: {  	[sflag:s7] =	ssyncadd.s32 s5;
	_ =	sdelay $0x1  }
0xa1: {  	s23 =	simm.s32 $0x1B8B  }
0xa2: {  	_ =	swait.ge [sflag:s23], $0x1  }
0xa3: {  	[sflag:s23] =	ssyncset.done $0x0  }
0xa4: {  	[sflag:s23] =	ssyncadd.s32 $0xFFFFFFFF  }
0xa5: {  	s5 =	sld [smem:$0x0]  }
0xa6: {  	s6 =	sand.u32 $0xFFFFFFFE, s1  }
0xa7: {  	p0 =	sne.s32 s1, s6  }
0xa8: {  	s6 =	sshll.u32 @p0 s6, $0xE  }
0xa9: {  	s6 =	sadd.s32 @p0 $0x11B8D, s6;
	s7 =	sshll.u32 @p0 s5, $0x11  }
0xaa: {  	s6 =	sor.u32 @p0 s7, s6  }
0xab: {  	[sflag:s6] =	ssyncadd.remote.s32 @p0 $0x1;
	_ =	sdelay $0x1  }
0xac: {  	s6 =	simm.s32 @p0 $0x1B8D  }
0xad: {  	_ =	swait.eq @p0 [sflag:s6], $0x1  }
0xae: {  	[sflag:s6] =	ssyncadd.s32 @p0 $0xFFFFFFFF  }
0xaf: {  	s7 =	sshll.u32 @!p0 s1, $0xE  }
0xb0: {  	s7 =	sor.u32 @!p0 $0x4000, s7;
	s6 =	simm.s32 @!p0 $0x1B8D  }
0xb1: {  	s5 =	sshll.u32 @!p0 s5, $0x11;
	s7 =	sadd.s32 @!p0 $0x11B8D, s7;
	_ =	swait.eq @!p0 [sflag:s6], $0x1  }
0xb2: {  	s5 =	sor.u32 @!p0 s5, s7;
	[sflag:s6] =	ssyncadd.s32 @!p0 $0xFFFFFFFF  }
0xb3: {  	s25 =	simm.s32 $0x1B8E;
	s24 =	sld [smem:$0x3FFE];
	[sflag:s5] =	ssyncadd.remote.s32 @!p0 $0x1  }
0xb4: {  	s26 =	simm.s32 $execute0_lowered;
	[smem:$0x3FD2] =	sst s25  }
0xb5: {  	s6 =	sshll.u32 s26, $0x1;
	_ =	strace $0x80000049;
	[dreg:$0x1] =	wrdreg $0xFFFFFFFF  }
0xb6: {  	s28 =	simm.s32 $_size_execute0_lowered;
	s4 =	sadd.s32 s4, s6;
	[dreg:$0x0] =	wrdreg $0x0  }
0xb7: {  	s6 =	sshll.u32 s28, $0x1;
	[dreg:$0x2] =	wrdreg s4  }
0xb8: {  	[dreg:$0x3] =	wrdreg s6  }
0xb9: {  	[dreg:$0x4] =	wrdreg $0xC0  }
0xba: {  	_ =	task [dreg:s22], $0x5FFFF  }
0xbb: {  	[dreg:$0x1] =	wrdreg $0xFFFFFFFF  }
0xbc: {  	[dreg:$0x0] =	wrdreg $0x60  }
0xbd: {  	[dreg:$0x2] =	wrdreg s18  }
0xbe: {  	[dreg:$0x3] =	wrdreg s24  }
0xbf: {  	[dreg:$0x4] =	wrdreg $0xB7800  }
0xc0: {  	[dreg:$0x5] =	wrdreg $0xA  }
0xc1: {  	_ =	task.clear_ibuf [dreg:s22], $0x6FFFF;
	_ =	strace $0x90000049  }
0xc2: {  	s29 =	simm.s32 $0xA;
	_ =	strace $0x8000004B  }
0xc3: {  	_ =	swait.ge [sflag:s29], $0x1  }
0xc4: {  	[sflag:s29] =	ssyncadd.s32 $0xFFFFFFFF  }
0xc5: {  	_ =	strace $0x9000004B  }
0xc6: {  	_ =	sfence  }
0xc7: {  	s30 =	sld [smem:$0x0];
	_ =	sdelay $0x2  }
0xc8: {  	s31 =	sshll.u32 s1, $0xD;
	s1 =	sshrl.u32 s1, $0x2  }
0xc9: {  	s4 =	sand.u32 $0x4000, s31;
	s1 =	sadd.s32 s1, s30  }
0xca: {  	s0 =	sor.u32 s4, s0;
	s1 =	sshll.u32 s1, $0x11  }
0xcb: {  	s0 =	sor.u32 s1, s0  }
0xcc: {  	s0 =	sadd.s32 $0x8F2B, s0  }
0xcd: {  	[sflag:s0] =	ssyncadd.remote.s32 $0x1  }
0xce: {  	_ =	sfence.sel $0xFFFF  }
0xcf: {  	[dreg:$0x0] =	wrdreg $0xFFFFFFFF;
	(pc) =	sbr.abs _section_cstart, $3  }
0xd0: {  	[dreg:$0x1] =	wrdreg $0xFFFFFFFF  }
0xd1: {  	_ =	task.clear_ibuf [dreg:s22], $0x2FFFF;
	_ =	strace $0x9FFFFFFF  }
0xd2: {  	(tm) =	ssettm $0x7FFFFFFF  }
0xd3: {  	_ =	shalt  }
tec
execute0_lowered:
.L_overlay_start_1:
0x0: {  	(tag) =	ssettag $0x1  }
0x1: {  	s1 =	srdreg.scid  }
0x2: {  	s0 =	stileid.u32;
	s6 =	rddreg [dreg:$0x1];
	s16 =	simm.s32 $0x400  }
0x3: {  	s17 =	simm.s32 $0x2780;
	s18 =	simm.s32 $0x1;
	s19 =	simm.s32 $0x2  }
0x4: {  	s20 =	simm.s32 $0x50;
	s21 =	simm.s32 $0x6780;
	s22 =	simm.s32 $0x8F80  }
0x5: {  	s28 =	simm.s32 $0x6580;
	s29 =	simm.s32 $0x0;
	s2 =	sand.u32 $0x1, s1  }
0x6: {  	s3 =	sshll.u32 s0, $0x1;
	s1 =	rddreg [dreg:$0x0];
	s10 =	smul.u32 $0x4E000, s0  }
0x7: {  	s23 =	sshrl.u32 s0, $0x2;
	s11 =	sadd.s32 $0x1F600, s6;
	s30 =	smul.u32 $0x13800, s0  }
0x8: {  	p0 =	seq.s32 s0, $0xF;
	s5 =	sor.u32 s2, s3;
	s7 =	smul.u32 $0x13C00, s23  }
0x9: {  	s3 =	rddreg [dreg:$0x2];
	s9 =	ssub.s32 $0x2, s2;
	s2 =	smul.u32 $0x138800, s2  }
0xa: {  	s23 =	simm.s32 $0x4;
	s4 =	sshll.u32 s5, $0x7;
	s5 =	sshll.u32 s5, $0xB  }
0xb: {  	s25 =	sshrl.u32 s9, $0x1;
	s26 =	sshrl.u32 s10, $0x2;
	s13 =	sadd.s32 $0x124800, s3  }
0xc: {  	s10 =	sshll.u32 @!p0 s0, $0x6;
	s8 =	sand.u32 $0x380, s4;
	s4 =	simm.s32 $0x0  }
0xd: {  	s24 =	sadd.s32 s5, s6;
	s5 =	sadd.s32 $0x1CE00, s6;
	s12 =	ssub.s32 s9, s25  }
0xe: {  	s14 =	sadd.s32 s26, s3;
	s31 =	sadd.s32 s30, s2;
	s2 =	sshrl.u32 s2, $0x3  }
0xf: {  	s25 =	simm.s32 $0x26C0;
	s26 =	simm.s32 $0x6500;
	s7 =	sor.u32 s7, s8  }
0x10: {  	[smem:$0x7FF] =	sst s4;
	s8 =	sshrl.u32 s31, $0x3;
	s2 =	sadd.s32 s11, s2  }
0x11: {  	s14 =	sshrl.u32 @!p0 s14, $0x3;
	s7 =	sshrl.u32 s7, $0x3;
	_ =	strace $0x8000004A  }
0x12: {  	s8 =	sadd.s32 s11, s8;
	s9 =	sadd.s32 $0x24900, s2;
	s11 =	smax.u32 s12, $0x1  }
0x13: {  	s12 =	sshrl.u32 @p0 s13, $0x3;
	s13 =	sor.u32 @!p0 $0x1C03, s10;
	s7 =	sadd.s32 s7, s6  }
0x14: {  	s6 =	sadd.s32 $0x13000, s7;
	s7 =	sadd.s32 $0x3000, s24;
	s24 =	simm.s32 $0x6480  }
.LBB2_1:
0x15: {  	s2 =	simm.s32 @p0 $0x1FC3;
	s0 =	simm.s32 $0x80  }
0x16: {  	[spmem:s12], [sflag:s2] =	dma.local @p0 [hbm:s5], $0x2800  }
0x17: {  	[spmem:s14], [sflag:s13] =	dma.local @!p0 [hbm:s5], $0x2700  }
0x18: {  	[tilespmem:s4], [sflag:$0x1] =	stream.strided.gather [hbm4b:s6+s0], $0x2780, s16, s0, $0x38;
	[tilespmem:$0x1F000] =	vst v63  }
0x19: {  	s2 =	simm.s32 @p0 $0x3  }
0x1a: {  	[tilespmem:s17], [sflag:$0x2] =	stream.linear.gather [hbm4b:s7+s4], $0x3E80, $0x38;
	[tilespmem:$0x1F000] =	vst v63  }
0x1b: {  	_ =	swait.ge @p0 [sflag:s2], $0x2800  }
0x1c: {  	[sflag:s2] =	ssyncset.done @p0 $0x0  }
0x1d: {  	[sflag:s2] =	ssyncadd.s32 @p0 $0xFFFFD800;
	s2 =	simm.s32 @!p0 $0x3  }
0x1e: {  	_ =	swait.ge @!p0 [sflag:s2], $0x2700  }
0x1f: {  	[sflag:s2] =	ssyncset.done @!p0 $0x0  }
0x20: {  	[sflag:s2] =	ssyncadd.s32 @!p0 $0xFFFFD900  }
0x21: {  	_ =	swait.ge [sflag:s18], $0x2780  }
0x22: {  	[sflag:s18] =	ssyncset.done $0x0  }
0x23: {  	[sflag:s18] =	ssyncadd.s32 $0xFFFFD880  }
0x24: {  	_ =	swait.ge [sflag:s19], $0x3E80  }
0x25: {  	[sflag:s19] =	ssyncset.done $0x0  }
0x26: {  	[sflag:s19] =	ssyncadd.s32 $0xFFFFC180  }
0x27: {  	[bflag:$0x0] =	sbarrier.arrive $0xFFFF  }
0x28: {  	[tilespmem:s21], [sflag:$0x1] =	stream.indirect.gather [hbm4b:s1+s20], $0x80, s4, s20, $0xb8;
	[tilespmem:$0x1F000] =	vst v63  }
0x29: {  	_ = 	snop  }
0x2a: {  	[tilespmem:s22], [sflag:$0x2] =	stream.indirect.gather [hbm4b:s1+s20], $0x80, s20, s20, $0xb8;
	[tilespmem:$0x1F000] =	vst v63  }
0x2b: {  	_ =	swait.ge [sflag:s18], $0x2800  }
0x2c: {  	[sflag:s18] =	ssyncset.done $0x0  }
0x2d: {  	s15 =	simm.s32 $0x2780;
	[sflag:s18] =	ssyncadd.s32 $0xFFFFD800  }
0x2e: {  	[spmem:s3] =	stream.indirect.scatter.add.f32 [tilespmem:s21], [sflag:$0x4], $0x80, s15, s20, $0xb8;
	[tilespmem:$0x1F000] =	vst v63  }
0x2f: {  	_ =	swait.ge [sflag:s23], $0x2800  }
0x30: {  	[sflag:s23] =	ssyncset.done $0x0  }
0x31: {  	s0 =	simm.s32 $0xA0;
	[sflag:s23] =	ssyncadd.s32 $0xFFFFD800  }
0x32: {  	[tilespmem:s21], [sflag:$0x1] =	stream.indirect.gather [hbm4b:s1+s20], $0x80, s0, s20, $0xb8;
	[tilespmem:$0x1F000] =	vst v63  }
0x33: {  	_ =	swait.ge [sflag:s19], $0x2800  }
0x34: {  	[sflag:s19] =	ssyncset.done $0x0  }
0x35: {  	s15 =	simm.s32 $0x2800;
	[sflag:s19] =	ssyncadd.s32 $0xFFFFD800  }
0x36: {  	[spmem:s3] =	stream.indirect.scatter.add.f32 [tilespmem:s22], [sflag:$0x4], $0x80, s15, s20, $0xb8;
	[tilespmem:$0x1F000] =	vst v63  }
0x37: {  	_ =	swait.ge [sflag:s23], $0x2800  }
0x38: {  	s30 =	simm.s32 $0xF0;
	[sflag:s23] =	ssyncset.done $0x0  }
0x39: {  	s31 =	simm.s32 $0x400;
	s2 =	simm.s32 $0x190;
	[sflag:s23] =	ssyncadd.s32 $0xFFFFD800  }
.LBB2_2:
0x3a: {  	[tilespmem:s22], [sflag:$0x2] =	stream.indirect.gather [hbm4b:s1+s20], $0x80, s30, s20, $0xb8;
	[tilespmem:$0x1F000] =	vst v63  }
0x3b: {  	s0 =	smov.u32 s31;
	s30 =	smov.u32 s2  }
0x3c: {  	p1 =	sne.s32 s31, $0xF000;
	s31 =	sadd.s32 $0x400, s31;
	_ =	swait.ge [sflag:s18], $0x2800  }
0x3d: {  	s0 =	sshra.s32 s0, $0x2;
	[sflag:s18] =	ssyncset.done $0x0  }
0x3e: {  	s15 =	sadd.s32 $0x2780, s0;
	[sflag:s18] =	ssyncadd.s32 $0xFFFFD800  }
0x3f: {  	[spmem:s3] =	stream.indirect.scatter.add.f32 [tilespmem:s21], [sflag:$0x4], $0x80, s15, s20, $0xb8;
	[tilespmem:$0x1F000] =	vst v63  }
0x40: {  	_ =	swait.ge [sflag:s23], $0x2800  }
0x41: {  	[sflag:s23] =	ssyncset.done $0x0  }
0x42: {  	s15 =	sadd.s32 $0xFFFFFFB0, s2;
	[sflag:s23] =	ssyncadd.s32 $0xFFFFD800  }
0x43: {  	[tilespmem:s21], [sflag:$0x1] =	stream.indirect.gather [hbm4b:s1+s20], $0x80, s15, s20, $0xb8;
	[tilespmem:$0x1F000] =	vst v63  }
0x44: {  	_ =	swait.ge [sflag:s19], $0x2800  }
0x45: {  	[sflag:s19] =	ssyncset.done $0x0  }
.Ltmp0:
0x46: {  	s0 =	sadd.s32 $0x2800, s0;
	[sflag:s19] =	ssyncadd.s32 $0xFFFFD800;
	(pc) =	sbr.rel @p1 .LBB2_2-.Ltmp0, $4  }
0x47: {  	[spmem:s3] =	stream.indirect.scatter.add.f32 [tilespmem:s22], [sflag:$0x4], $0x80, s0, s20, $0xb8;
	[tilespmem:$0x1F000] =	vst v63  }
0x48: {  	_ =	swait.ge [sflag:s23], $0x2800  }
0x49: {  	[sflag:s23] =	ssyncset.done $0x0  }
0x4a: {  	s2 =	sadd.s32 $0xA0, s2;
	[sflag:s23] =	ssyncadd.s32 $0xFFFFD800  }
0x4b: {  	[tilespmem:s22], [sflag:$0x2] =	stream.indirect.gather [hbm4b:s1+s20], $0x80, s30, s20, $0xb8;
	[tilespmem:$0x1F000] =	vst v63  }
0x4c: {  	_ =	swait.ge [sflag:s18], $0x2800  }
0x4d: {  	[sflag:s18] =	ssyncset.done $0x0  }
0x4e: {  	[sflag:s18] =	ssyncadd.s32 $0xFFFFD800  }
0x4f: {  	[spmem:s3] =	stream.indirect.scatter.add.f32 [tilespmem:s21], [sflag:$0x4], $0x80, s24, s20, $0xb8;
	[tilespmem:$0x1F000] =	vst v63  }
0x50: {  	_ =	swait.ge [sflag:s23], $0x2800  }
0x51: {  	[sflag:s23] =	ssyncset.done $0x0  }
0x52: {  	[sflag:s23] =	ssyncadd.s32 $0xFFFFD800  }
0x53: {  	[tilespmem:s21], [sflag:$0x1] =	stream.indirect.gather [hbm4b:s1+s20], $0x80, s25, s20, $0xb8;
	[tilespmem:$0x1F000] =	vst v63  }
0x54: {  	_ =	swait.ge [sflag:s19], $0x2800  }
0x55: {  	[sflag:s19] =	ssyncset.done $0x0  }
0x56: {  	[sflag:s19] =	ssyncadd.s32 $0xFFFFD800  }
0x57: {  	[spmem:s3] =	stream.indirect.scatter.add.f32 [tilespmem:s22], [sflag:$0x4], $0x80, s26, s20, $0xb8;
	[tilespmem:$0x1F000] =	vst v63  }
0x58: {  	_ =	swait.ge [sflag:s23], $0x2800  }
0x59: {  	[sflag:s23] =	ssyncset.done $0x0  }
0x5a: {  	[sflag:s23] =	ssyncadd.s32 $0xFFFFD800  }
0x5b: {  	_ =	swait.ge [sflag:s18], $0x2800  }
0x5c: {  	[sflag:s18] =	ssyncset.done $0x0  }
0x5d: {  	[sflag:s18] =	ssyncadd.s32 $0xFFFFD800  }
0x5e: {  	[spmem:s3] =	stream.indirect.scatter.add.f32 [tilespmem:s21], [sflag:$0x4], $0x80, s28, s20, $0xb8;
	[tilespmem:$0x1F000] =	vst v63  }
0x5f: {  	_ =	swait.ge [sflag:s23], $0x2800  }
0x60: {  	[sflag:s23] =	ssyncset.done $0x0  }
0x61: {  	[sflag:s23] =	ssyncadd.s32 $0xFFFFD800  }
0x62: {  	s0 =	simm.s32 @p0 $0x1FC4;
	[bflag:$0x0] =	sbarrier.arrive $0xFFFF  }
0x63: {  	[hbm:s9], [sflag:s0] =	dma.local @p0 [spmem:s12], $0x2800  }
0x64: {  	s0 =	simm.s32 @p0 $0x4  }
0x65: {  	_ =	swait.ge @p0 [sflag:s0], $0x2800  }
0x66: {  	s29 =	sadd.s32 $0x1, s29;
	[sflag:s0] =	ssyncset.done @p0 $0x0  }
0x67: {  	p1 =	sne.s32 s29, s11;
	[sflag:s0] =	ssyncadd.s32 @p0 $0xFFFFD800;
	s0 =	sor.u32 @!p0 $0x1C04, s10  }
0x68: {  	[hbm:s8], [sflag:s0] =	dma.local @!p0 [spmem:s14], $0x2700  }
.Ltmp1:
0x69: {  	_ = 	snop;
	(pc) =	sbr.rel @p1 .LBB2_1-.Ltmp1, $4  }
0x6a: {  	s0 =	simm.s32 @!p0 $0x4  }
0x6b: {  	_ =	swait.ge @!p0 [sflag:s0], $0x2700  }
0x6c: {  	[sflag:s0] =	ssyncset.done @!p0 $0x0  }
0x6d: {  	[sflag:s0] =	ssyncadd.s32 @!p0 $0xFFFFD900  }
0x6e: {  	_ =	sfence.sel $0x180000  }
0x6f: {  	[bflag:$0x0] =	sbarrier.arrive $0xFFFF  }
0x70: {  	_ =	strace $0x9000004A  }
0x71: {  	s0 =	stileid.u32;
	[bflag:$0x2] =	sbarrier.arrive $0xFFFF  }
0x72: {  	p0 =	sne.s32 s0, $0x0;
	s0 =	rddreg [dreg:$0x3]  }
0x73: {  	s0 =	sadd.s32 @!p0 $0x100000, s0  }
0x74: {  	[sflag:s0] =	ssyncadd.tile.s32 @!p0 $0x1;
	_ =	shalt  }
.Lfunc_end2:
_tile_overlayer_lowered:
.L_overlay_start_2:
0x75: {  	(tag) =	ssettag $0x2  }
0x76: {  	s0 =	rddreg [dreg:$0x0];
	s2 =	stileid.u32  }
0x77: {  	s1 =	rddreg [dreg:$0x1];
	p0 =	sne.s32 s2, $0x0  }
0x78: {  	s3 =	rddreg [dreg:$0x2];
	[bflag:$0x3] =	sbarrier.arrive $0xFFFF;
	s2 =	simm.s32 @!p0 $0x1C04  }
0x79: {  	[timem:s3], [sflag:s2] =	dma.local @!p0 [hbm:s0], s1  }
0x7a: {  	s0 =	simm.s32 @!p0 $0x4  }
0x7b: {  	_ =	swait.ge @!p0 [sflag:s0], s1  }
0x7c: {  	s1 =	ssub.s32 @!p0 $0x0, s1;
	[sflag:s0] =	ssyncset.done @!p0 $0x0  }
0x7d: {  	[sflag:s0] =	ssyncadd.s32 @!p0 s1  }
0x7e: {  	[bflag:$0x3] =	sbarrier.arrive $0xFFFF  }
0x7f: {  	_ =	shalt  }

// kernel: kernel.13.cloned.1.call-start
scs
__scs_entry_jumppad:
0x0: {  	(pc) =	sbr.rel $0x88, $3  }
0x1: {  	(tag) =	ssettag $0x0;
	lr =	simm.s32 $0x1  }
0x2: {  	[smem:$0x3F99] =	sst lr;
	_ =	strace $0xD0000000  }
0x3: {  	_ = 	snop  }
0x4: {  	_ = 	snop  }
0x5: {  	_ = 	snop  }
0x6: {  	_ = 	snop  }
0x7: {  	_ = 	snop  }
__scs_overlays_trampoline_lowered:
0x8: {  	[smem:$0x3FA8] =	sst s0  }
0x9: {  	[smem:$0x3FA9] =	sst s1  }
0xa: {  	[smem:$0x3FAA] =	sst s2  }
0xb: {  	[smem:$0x3FAB] =	sst s3  }
0xc: {  	[smem:$0x3FAC] =	sst s4  }
0xd: {  	[smem:$0x3FAD] =	sst s5  }
0xe: {  	[smem:$0x3FAE] =	sst s6  }
0xf: {  	[smem:$0x3FAF] =	sst s7  }
0x10: {  	[smem:$0x3FB0] =	sst s8  }
0x11: {  	[smem:$0x3FB1] =	sst s9;
	s0 =	simm.s32 @!p0 $0x0  }
0x12: {  	s1 =	sld [smem:$0x3F97];
	s0 =	simm.s32 @p0 $0x1  }
0x13: {  	[smem:$0x3FB2] =	sst s0;
	s0 =	simm.s32 @!p1 $0x0  }
0x14: {  	s2 =	sld [smem:$0x3F96];
	s0 =	simm.s32 @p1 $0x1  }
0x15: {  	[smem:$0x3FB3] =	sst s0;
	s0 =	simm.s32 @!p2 $0x0  }
0x16: {  	s3 =	sld [smem:$0x3FDB];
	s0 =	simm.s32 @p2 $0x1  }
0x17: {  	s4 =	simm.s32 $0x1BF5;
	[smem:$0x3FB5] =	sst s0  }
0x18: {  	s0 =	sld [smem:$0x3F98];
	_ =	swait.ge [sflag:s4], $0x0  }
0x19: {  	s7 =	sld [smem:$0x3F99]  }
0x1a: {  	s8 =	sadd.s32 $0xFFFFE003, lr  }
0x1b: {  	s9 =	sadd.s32 $0xFFFFFEF7, lr;
	s5 =	simm.s32 $0xFFFFFFFF;
	p2 =	slt.u32 s8, $0xFFFFF086  }
0x1c: {  	p1 =	slt.u32 s9, $0xF7A;
	s5 =	simm.s32 @!p2 $0x0  }
0x1d: {  	s5 =	simm.s32 @p1 $0x1;
	p0 =	seq.s32 s7, s2  }
0x1e: {  	s7 =	smul.u32 @!p0 $0xF7A, s2;
	p2 =	seq.s32 @!p0 s5, $0x0  }
0x1f: {  	s9 =	smul.u32 $0xF7A, s1;
	s8 =	simm.s32 @!p0 $0x1BF5;
	p2 =	por !p2, p0  }
0x20: {  	[sflag:s8] =	ssyncset.s32 @!p0 $0xFFFFF086;
	s6 =	sadd.s32 @!p0 s3, s7;
	s7 =	simm.s32 @!p0 $0x108  }
0x21: {  	s3 =	sadd.s32 s3, s9;
	s6 =	sadd.s32 @!p0 $0x88, s6;
	s7 =	simm.s32 @p2 $0x1082  }
0x22: {  	[simem:s7], [sflag:s8] =	dma.local @!p0 [hbm:s6], $0xF7A  }
0x23: {  	s9 =	sor.u32 $0xD0000000, s2;
	s6 =	simm.s32 $0x108;
	_ =	swait.ge @!p0 [sflag:s8], $0x0  }
0x24: {  	s3 =	sadd.s32 $0x88, s3;
	s6 =	simm.s32 @!p1 $0x1082;
	[sflag:s4] =	ssyncset.s32 $0xFFFFF086  }
0x25: {  	[simem:s6], [sflag:s4] =	dma.local [hbm:s3], $0xF7A  }
0x26: {  	[smem:$0x3F99] =	sst s1;
	(tag) =	ssettag s2;
	_ =	strace s9  }
0x27: {  	s1 =	sld [smem:$0x3FA9]  }
0x28: {  	s2 =	sld [smem:$0x3FAA]  }
0x29: {  	s4 =	sld [smem:$0x3FAC]  }
0x2a: {  	p0 =	seq.s32 s5, $0x0;
	s5 =	sld [smem:$0x3FAD]  }
0x2b: {  	s6 =	sld [smem:$0x3FAE]  }
0x2c: {  	s7 =	sld [smem:$0x3FAF]  }
0x2d: {  	s3 =	simm.s32 $0x108;
	s8 =	sld [smem:$0x3FB0]  }
0x2e: {  	s3 =	simm.s32 @!p0 $0x1082;
	s9 =	sld [smem:$0x3FB1]  }
0x2f: {  	lr =	sadd.s32 s0, s3;
	s0 =	sld [smem:$0x3FA8]  }
0x30: {  	s3 =	sld [smem:$0x3FAB]  }
0x31: {  	[smem:$0x3FB4] =	sst s10  }
0x32: {  	s10 =	sld [smem:$0x3FB2];
	_ =	sdelay $0x3  }
0x33: {  	p0 =	seq.s32 s10, $0x1;
	s10 =	sld [smem:$0x3FB4];
	_ =	sdelay $0x3  }
0x34: {  	[smem:$0x3FB4] =	sst s10  }
0x35: {  	s10 =	sld [smem:$0x3FB3];
	_ =	sdelay $0x3  }
0x36: {  	p1 =	seq.s32 s10, $0x1;
	s10 =	sld [smem:$0x3FB4];
	_ =	sdelay $0x3  }
0x37: {  	[smem:$0x3FB4] =	sst s10  }
0x38: {  	s10 =	sld [smem:$0x3FB5]  }
0x39: {  	_ = 	snop;
	(pc) =	sbr.ind lr, $3  }
0x3a: {  	_ = 	snop  }
0x3b: {  	_ = 	snop  }
0x3c: {  	p2 =	seq.s32 s10, $0x1;
	s10 =	sld [smem:$0x3FB4]  }
0x3d: {  	_ =	shalt  }
0x3e: {  	_ =	shalt  }
0x3f: {  	_ =	shalt  }
0x40: {  	_ =	shalt  }
0x41: {  	_ =	shalt  }
0x42: {  	_ =	shalt  }
0x43: {  	_ =	shalt  }
0x44: {  	_ =	shalt  }
0x45: {  	_ =	shalt  }
0x46: {  	_ =	shalt  }
0x47: {  	_ =	shalt  }
0x48: {  	_ =	shalt  }
0x49: {  	_ =	shalt  }
0x4a: {  	_ =	shalt  }
0x4b: {  	_ =	shalt  }
0x4c: {  	_ =	shalt  }
0x4d: {  	_ =	shalt  }
0x4e: {  	_ =	shalt  }
0x4f: {  	_ =	shalt  }
0x50: {  	_ =	shalt  }
0x51: {  	_ =	shalt  }
0x52: {  	_ =	shalt  }
0x53: {  	_ =	shalt  }
0x54: {  	_ =	shalt  }
0x55: {  	_ =	shalt  }
0x56: {  	_ =	shalt  }
0x57: {  	_ =	shalt  }
0x58: {  	_ =	shalt  }
0x59: {  	_ =	shalt  }
0x5a: {  	_ =	shalt  }
0x5b: {  	_ =	shalt  }
0x5c: {  	_ =	shalt  }
0x5d: {  	_ =	shalt  }
0x5e: {  	_ =	shalt  }
0x5f: {  	_ =	shalt  }
0x60: {  	_ =	shalt  }
0x61: {  	_ =	shalt  }
0x62: {  	_ =	shalt  }
0x63: {  	_ =	shalt  }
0x64: {  	_ =	shalt  }
0x65: {  	_ =	shalt  }
0x66: {  	_ =	shalt  }
0x67: {  	_ =	shalt  }
0x68: {  	_ =	shalt  }
0x69: {  	_ =	shalt  }
0x6a: {  	_ =	shalt  }
0x6b: {  	_ =	shalt  }
0x6c: {  	_ =	shalt  }
0x6d: {  	_ =	shalt  }
0x6e: {  	_ =	shalt  }
0x6f: {  	_ =	shalt  }
0x70: {  	_ =	shalt  }
0x71: {  	_ =	shalt  }
0x72: {  	_ =	shalt  }
0x73: {  	_ =	shalt  }
0x74: {  	_ =	shalt  }
0x75: {  	_ =	shalt  }
0x76: {  	_ =	shalt  }
0x77: {  	_ =	shalt  }
0x78: {  	_ =	shalt  }
0x79: {  	_ =	shalt  }
0x7a: {  	_ =	shalt  }
0x7b: {  	_ =	shalt  }
0x7c: {  	_ =	shalt  }
0x7d: {  	_ =	shalt  }
0x7e: {  	_ =	shalt  }
0x7f: {  	_ =	shalt  }
0x80: {  	_ =	shalt  }
0x81: {  	_ =	shalt  }
0x82: {  	_ =	shalt  }
0x83: {  	_ =	shalt  }
0x84: {  	_ =	shalt  }
0x85: {  	_ =	shalt  }
0x86: {  	_ =	shalt  }
0x87: {  	_ =	shalt  }
.Lfunc_end0:
.L_simem_size_0:
called_computation.2_lowered:
.L_overlay_start_0:
0x88: {  	s2 =	sld [smem:$0x3FD9]  }
0x89: {  	s3 =	sld [smem:$0x3FFE];
	_ =	sdelay $0x1  }
0x8a: {  	s1 =	srdreg.scid  }
0x8b: {  	s0 =	sand.u32 $0x1, s1  }
0x8c: {  	s17 =	sshll.u32 s0, $0xA;
	s2 =	sadd.s32 s3, s2  }
0x8d: {  	s2 =	sadd.s32 s2, s17  }
0x8e: {  	[smem:$0x3FC0] =	sst s2  }
0x8f: {  	_ = 	snop  }
0x90: {  	s2 =	sld [smem:$0x3FD0];
	(tm) =	ssettm $0x1  }
0x91: {  	s18 =	sld [smem:$0x3FFB];
	_ =	sdelay $0x3  }
0x92: {  	_ =	strace s18  }
0x93: {  	s3 =	sld [smem:$0x3FFC];
	_ =	sdelay $0x3  }
0x94: {  	_ =	strace s3  }
0x95: {  	s3 =	sld [smem:$0x3FFD];
	_ =	sdelay $0x3  }
0x96: {  	_ =	strace s3  }
0x97: {  	_ =	strace $0x8FFFFFFF  }
0x98: {  	s19 =	sld [smem:$0x3FDB];
	_ =	sdelay $0x1  }
0x99: {  	s4 =	simm.s32 $_scs_section_size  }
0x9a: {  	s5 =	simm.s32 $_size__tile_overlayer_lowered;
	s6 =	simm.s32 $_tile_overlayer_lowered  }
0x9b: {  	s22 =	simm.s32 $0x1BFF;
	s21 =	sshll.u32 s6, $0x1;
	s3 =	sadd.s32 s4, s19  }
0x9c: {  	s7 =	simm.s32 $0x0;
	s20 =	sshll.u32 s5, $0x1;
	s5 =	sadd.s32 s21, s3  }
0x9d: {  	[timem:s7], [sflag:s22] =	dma.local [hbm:s5], s20  }
0x9e: {  	_ =	swait.ge [sflag:s22], s20  }
0x9f: {  	s4 =	ssub.s32 $0x0, s20;
	[sflag:s22] =	ssyncset.done $0x0  }
0xa0: {  	[sflag:s22] =	ssyncadd.s32 s4;
	_ =	sdelay $0x1  }
0xa1: {  	s23 =	simm.s32 $0x1B8B  }
0xa2: {  	_ =	swait.ge [sflag:s23], $0x1  }
0xa3: {  	[sflag:s23] =	ssyncset.done $0x0  }
0xa4: {  	s25 =	simm.s32 $0x1B8E;
	s24 =	sld [smem:$0x3FFE];
	[sflag:s23] =	ssyncadd.s32 $0xFFFFFFFF  }
0xa5: {  	s26 =	simm.s32 $execute0_lowered;
	[smem:$0x3FD2] =	sst s25  }
0xa6: {  	s5 =	sshll.u32 s26, $0x1;
	_ =	strace $0x8000004C;
	[dreg:$0x1] =	wrdreg $0xFFFFFFFF  }
0xa7: {  	s28 =	simm.s32 $_size_execute0_lowered;
	s3 =	sadd.s32 s3, s5;
	[dreg:$0x0] =	wrdreg $0x0  }
0xa8: {  	s5 =	sshll.u32 s28, $0x1;
	[dreg:$0x2] =	wrdreg s3  }
0xa9: {  	[dreg:$0x3] =	wrdreg s5  }
0xaa: {  	[dreg:$0x4] =	wrdreg $0xC0  }
0xab: {  	_ =	task [dreg:s7], $0x5FFFF  }
0xac: {  	[dreg:$0x1] =	wrdreg $0xFFFFFFFF  }
0xad: {  	[dreg:$0x0] =	wrdreg $0x60  }
0xae: {  	[dreg:$0x2] =	wrdreg s2  }
0xaf: {  	[dreg:$0x3] =	wrdreg s24  }
0xb0: {  	[dreg:$0x4] =	wrdreg $0xB7800  }
0xb1: {  	[dreg:$0x5] =	wrdreg $0x9  }
0xb2: {  	_ =	task.clear_ibuf [dreg:s7], $0x6FFFF;
	_ =	strace $0x9000004C  }
0xb3: {  	s29 =	simm.s32 $0x9;
	_ =	strace $0x8000004E  }
0xb4: {  	_ =	swait.ge [sflag:s29], $0x1  }
0xb5: {  	[sflag:s29] =	ssyncadd.s32 $0xFFFFFFFF  }
0xb6: {  	_ =	strace $0x9000004E  }
0xb7: {  	_ =	sfence  }
0xb8: {  	s30 =	sld [smem:$0x0];
	_ =	sdelay $0x2  }
0xb9: {  	s31 =	sshll.u32 s1, $0xD;
	s1 =	sshrl.u32 s1, $0x2  }
0xba: {  	s3 =	sand.u32 $0x4000, s31;
	s1 =	sadd.s32 s1, s30  }
0xbb: {  	s0 =	sor.u32 s3, s0;
	s1 =	sshll.u32 s1, $0x11  }
0xbc: {  	s0 =	sor.u32 s1, s0  }
0xbd: {  	s0 =	sadd.s32 $0x8F2B, s0  }
0xbe: {  	[sflag:s0] =	ssyncadd.remote.s32 $0x1  }
0xbf: {  	_ =	sfence.sel $0xFFFF  }
0xc0: {  	[dreg:$0x0] =	wrdreg $0xFFFFFFFF;
	(pc) =	sbr.abs _section_cstart, $3  }
0xc1: {  	[dreg:$0x1] =	wrdreg $0xFFFFFFFF  }
0xc2: {  	_ =	task.clear_ibuf [dreg:s7], $0x2FFFF;
	_ =	strace $0x9FFFFFFF  }
0xc3: {  	(tm) =	ssettm $0x7FFFFFFF  }
tec
execute0_lowered:
.L_overlay_start_1:
0x0: {  	(tag) =	ssettag $0x1  }
0x1: {  	s1 =	srdreg.scid  }
0x2: {  	s0 =	stileid.u32;
	s6 =	rddreg [dreg:$0x1];
	s16 =	simm.s32 $0x400  }
0x3: {  	s17 =	simm.s32 $0x2780;
	s18 =	simm.s32 $0x1;
	s19 =	simm.s32 $0x2  }
0x4: {  	s20 =	simm.s32 $0x50;
	s21 =	simm.s32 $0x6780;
	s22 =	simm.s32 $0x8F80  }
0x5: {  	s28 =	simm.s32 $0x6580;
	s29 =	simm.s32 $0x0;
	s2 =	sand.u32 $0x1, s1  }
0x6: {  	s3 =	sshll.u32 s0, $0x1;
	s1 =	rddreg [dreg:$0x0];
	s10 =	smul.u32 $0x4E000, s0  }
0x7: {  	s23 =	sshrl.u32 s0, $0x2;
	s11 =	sadd.s32 $0x1F600, s6;
	s30 =	smul.u32 $0x13800, s0  }
0x8: {  	p0 =	seq.s32 s0, $0xF;
	s5 =	sor.u32 s2, s3;
	s7 =	smul.u32 $0x13C00, s23  }
0x9: {  	s3 =	rddreg [dreg:$0x2];
	s9 =	ssub.s32 $0x2, s2;
	s2 =	smul.u32 $0x138800, s2  }
0xa: {  	s23 =	simm.s32 $0x4;
	s4 =	sshll.u32 s5, $0x7;
	s5 =	sshll.u32 s5, $0xB  }
0xb: {  	s25 =	sshrl.u32 s9, $0x1;
	s26 =	sshrl.u32 s10, $0x2;
	s13 =	sadd.s32 $0x124800, s3  }
0xc: {  	s10 =	sshll.u32 @!p0 s0, $0x6;
	s8 =	sand.u32 $0x380, s4;
	s4 =	simm.s32 $0x0  }
0xd: {  	s24 =	sadd.s32 s5, s6;
	s5 =	sadd.s32 $0x1CE00, s6;
	s12 =	ssub.s32 s9, s25  }
0xe: {  	s14 =	sadd.s32 s26, s3;
	s31 =	sadd.s32 s30, s2;
	s2 =	sshrl.u32 s2, $0x3  }
0xf: {  	s25 =	simm.s32 $0x26C0;
	s26 =	simm.s32 $0x6500;
	s7 =	sor.u32 s7, s8  }
0x10: {  	[smem:$0x7FF] =	sst s4;
	s8 =	sshrl.u32 s31, $0x3;
	s2 =	sadd.s32 s11, s2  }
0x11: {  	s14 =	sshrl.u32 @!p0 s14, $0x3;
	s7 =	sshrl.u32 s7, $0x3;
	_ =	strace $0x8000004D  }
0x12: {  	s8 =	sadd.s32 s11, s8;
	s9 =	sadd.s32 $0x24900, s2;
	s11 =	smax.u32 s12, $0x1  }
0x13: {  	s12 =	sshrl.u32 @p0 s13, $0x3;
	s13 =	sor.u32 @!p0 $0x1C03, s10;
	s7 =	sadd.s32 s7, s6  }
0x14: {  	s6 =	sadd.s32 $0x13000, s7;
	s7 =	sadd.s32 $0x3000, s24;
	s24 =	simm.s32 $0x6480  }
.LBB2_1:
0x15: {  	s2 =	simm.s32 @p0 $0x1FC3;
	s0 =	simm.s32 $0x80  }
0x16: {  	[spmem:s12], [sflag:s2] =	dma.local @p0 [hbm:s5], $0x2800  }
0x17: {  	[spmem:s14], [sflag:s13] =	dma.local @!p0 [hbm:s5], $0x2700  }
0x18: {  	[tilespmem:s4], [sflag:$0x1] =	stream.strided.gather [hbm4b:s6+s0], $0x2780, s16, s0, $0x38;
	[tilespmem:$0x1F000] =	vst v63  }
0x19: {  	s2 =	simm.s32 @p0 $0x3  }
0x1a: {  	[tilespmem:s17], [sflag:$0x2] =	stream.linear.gather [hbm4b:s7+s4], $0x3E80, $0x38;
	[tilespmem:$0x1F000] =	vst v63  }
0x1b: {  	_ =	swait.ge @p0 [sflag:s2], $0x2800  }
0x1c: {  	[sflag:s2] =	ssyncset.done @p0 $0x0  }
0x1d: {  	[sflag:s2] =	ssyncadd.s32 @p0 $0xFFFFD800;
	s2 =	simm.s32 @!p0 $0x3  }
0x1e: {  	_ =	swait.ge @!p0 [sflag:s2], $0x2700  }
0x1f: {  	[sflag:s2] =	ssyncset.done @!p0 $0x0  }
0x20: {  	[sflag:s2] =	ssyncadd.s32 @!p0 $0xFFFFD900  }
0x21: {  	_ =	swait.ge [sflag:s18], $0x2780  }
0x22: {  	[sflag:s18] =	ssyncset.done $0x0  }
0x23: {  	[sflag:s18] =	ssyncadd.s32 $0xFFFFD880  }
0x24: {  	_ =	swait.ge [sflag:s19], $0x3E80  }
0x25: {  	[sflag:s19] =	ssyncset.done $0x0  }
0x26: {  	[sflag:s19] =	ssyncadd.s32 $0xFFFFC180  }
0x27: {  	[bflag:$0x0] =	sbarrier.arrive $0xFFFF  }
0x28: {  	[tilespmem:s21], [sflag:$0x1] =	stream.indirect.gather [hbm4b:s1+s20], $0x80, s4, s20, $0xb8;
	[tilespmem:$0x1F000] =	vst v63  }
0x29: {  	_ = 	snop  }
0x2a: {  	[tilespmem:s22], [sflag:$0x2] =	stream.indirect.gather [hbm4b:s1+s20], $0x80, s20, s20, $0xb8;
	[tilespmem:$0x1F000] =	vst v63  }
0x2b: {  	_ =	swait.ge [sflag:s18], $0x2800  }
0x2c: {  	[sflag:s18] =	ssyncset.done $0x0  }
0x2d: {  	s15 =	simm.s32 $0x2780;
	[sflag:s18] =	ssyncadd.s32 $0xFFFFD800  }
0x2e: {  	[spmem:s3] =	stream.indirect.scatter.add.f32 [tilespmem:s21], [sflag:$0x4], $0x80, s15, s20, $0xb8;
	[tilespmem:$0x1F000] =	vst v63  }
0x2f: {  	_ =	swait.ge [sflag:s23], $0x2800  }
0x30: {  	[sflag:s23] =	ssyncset.done $0x0  }
0x31: {  	s0 =	simm.s32 $0xA0;
	[sflag:s23] =	ssyncadd.s32 $0xFFFFD800  }
0x32: {  	[tilespmem:s21], [sflag:$0x1] =	stream.indirect.gather [hbm4b:s1+s20], $0x80, s0, s20, $0xb8;
	[tilespmem:$0x1F000] =	vst v63  }
0x33: {  	_ =	swait.ge [sflag:s19], $0x2800  }
0x34: {  	[sflag:s19] =	ssyncset.done $0x0  }
0x35: {  	s15 =	simm.s32 $0x2800;
	[sflag:s19] =	ssyncadd.s32 $0xFFFFD800  }
0x36: {  	[spmem:s3] =	stream.indirect.scatter.add.f32 [tilespmem:s22], [sflag:$0x4], $0x80, s15, s20, $0xb8;
	[tilespmem:$0x1F000] =	vst v63  }
0x37: {  	_ =	swait.ge [sflag:s23], $0x2800  }
0x38: {  	s30 =	simm.s32 $0xF0;
	[sflag:s23] =	ssyncset.done $0x0  }
0x39: {  	s31 =	simm.s32 $0x400;
	s2 =	simm.s32 $0x190;
	[sflag:s23] =	ssyncadd.s32 $0xFFFFD800  }
.LBB2_2:
0x3a: {  	[tilespmem:s22], [sflag:$0x2] =	stream.indirect.gather [hbm4b:s1+s20], $0x80, s30, s20, $0xb8;
	[tilespmem:$0x1F000] =	vst v63  }
0x3b: {  	s0 =	smov.u32 s31;
	s30 =	smov.u32 s2  }
0x3c: {  	p1 =	sne.s32 s31, $0xF000;
	s31 =	sadd.s32 $0x400, s31;
	_ =	swait.ge [sflag:s18], $0x2800  }
0x3d: {  	s0 =	sshra.s32 s0, $0x2;
	[sflag:s18] =	ssyncset.done $0x0  }
0x3e: {  	s15 =	sadd.s32 $0x2780, s0;
	[sflag:s18] =	ssyncadd.s32 $0xFFFFD800  }
0x3f: {  	[spmem:s3] =	stream.indirect.scatter.add.f32 [tilespmem:s21], [sflag:$0x4], $0x80, s15, s20, $0xb8;
	[tilespmem:$0x1F000] =	vst v63  }
0x40: {  	_ =	swait.ge [sflag:s23], $0x2800  }
0x41: {  	[sflag:s23] =	ssyncset.done $0x0  }
0x42: {  	s15 =	sadd.s32 $0xFFFFFFB0, s2;
	[sflag:s23] =	ssyncadd.s32 $0xFFFFD800  }
0x43: {  	[tilespmem:s21], [sflag:$0x1] =	stream.indirect.gather [hbm4b:s1+s20], $0x80, s15, s20, $0xb8;
	[tilespmem:$0x1F000] =	vst v63  }
0x44: {  	_ =	swait.ge [sflag:s19], $0x2800  }
0x45: {  	[sflag:s19] =	ssyncset.done $0x0  }
.Ltmp0:
0x46: {  	s0 =	sadd.s32 $0x2800, s0;
	[sflag:s19] =	ssyncadd.s32 $0xFFFFD800;
	(pc) =	sbr.rel @p1 .LBB2_2-.Ltmp0, $4  }
0x47: {  	[spmem:s3] =	stream.indirect.scatter.add.f32 [tilespmem:s22], [sflag:$0x4], $0x80, s0, s20, $0xb8;
	[tilespmem:$0x1F000] =	vst v63  }
0x48: {  	_ =	swait.ge [sflag:s23], $0x2800  }
0x49: {  	[sflag:s23] =	ssyncset.done $0x0  }
0x4a: {  	s2 =	sadd.s32 $0xA0, s2;
	[sflag:s23] =	ssyncadd.s32 $0xFFFFD800  }
0x4b: {  	[tilespmem:s22], [sflag:$0x2] =	stream.indirect.gather [hbm4b:s1+s20], $0x80, s30, s20, $0xb8;
	[tilespmem:$0x1F000] =	vst v63  }
0x4c: {  	_ =	swait.ge [sflag:s18], $0x2800  }
0x4d: {  	[sflag:s18] =	ssyncset.done $0x0  }
0x4e: {  	[sflag:s18] =	ssyncadd.s32 $0xFFFFD800  }
0x4f: {  	[spmem:s3] =	stream.indirect.scatter.add.f32 [tilespmem:s21], [sflag:$0x4], $0x80, s24, s20, $0xb8;
	[tilespmem:$0x1F000] =	vst v63  }
0x50: {  	_ =	swait.ge [sflag:s23], $0x2800  }
0x51: {  	[sflag:s23] =	ssyncset.done $0x0  }
0x52: {  	[sflag:s23] =	ssyncadd.s32 $0xFFFFD800  }
0x53: {  	[tilespmem:s21], [sflag:$0x1] =	stream.indirect.gather [hbm4b:s1+s20], $0x80, s25, s20, $0xb8;
	[tilespmem:$0x1F000] =	vst v63  }
0x54: {  	_ =	swait.ge [sflag:s19], $0x2800  }
0x55: {  	[sflag:s19] =	ssyncset.done $0x0  }
0x56: {  	[sflag:s19] =	ssyncadd.s32 $0xFFFFD800  }
0x57: {  	[spmem:s3] =	stream.indirect.scatter.add.f32 [tilespmem:s22], [sflag:$0x4], $0x80, s26, s20, $0xb8;
	[tilespmem:$0x1F000] =	vst v63  }
0x58: {  	_ =	swait.ge [sflag:s23], $0x2800  }
0x59: {  	[sflag:s23] =	ssyncset.done $0x0  }
0x5a: {  	[sflag:s23] =	ssyncadd.s32 $0xFFFFD800  }
0x5b: {  	_ =	swait.ge [sflag:s18], $0x2800  }
0x5c: {  	[sflag:s18] =	ssyncset.done $0x0  }
0x5d: {  	[sflag:s18] =	ssyncadd.s32 $0xFFFFD800  }
0x5e: {  	[spmem:s3] =	stream.indirect.scatter.add.f32 [tilespmem:s21], [sflag:$0x4], $0x80, s28, s20, $0xb8;
	[tilespmem:$0x1F000] =	vst v63  }
0x5f: {  	_ =	swait.ge [sflag:s23], $0x2800  }
0x60: {  	[sflag:s23] =	ssyncset.done $0x0  }
0x61: {  	[sflag:s23] =	ssyncadd.s32 $0xFFFFD800  }
0x62: {  	s0 =	simm.s32 @p0 $0x1FC4;
	[bflag:$0x0] =	sbarrier.arrive $0xFFFF  }
0x63: {  	[hbm:s9], [sflag:s0] =	dma.local @p0 [spmem:s12], $0x2800  }
0x64: {  	s0 =	simm.s32 @p0 $0x4  }
0x65: {  	_ =	swait.ge @p0 [sflag:s0], $0x2800  }
0x66: {  	s29 =	sadd.s32 $0x1, s29;
	[sflag:s0] =	ssyncset.done @p0 $0x0  }
0x67: {  	p1 =	sne.s32 s29, s11;
	[sflag:s0] =	ssyncadd.s32 @p0 $0xFFFFD800;
	s0 =	sor.u32 @!p0 $0x1C04, s10  }
0x68: {  	[hbm:s8], [sflag:s0] =	dma.local @!p0 [spmem:s14], $0x2700  }
.Ltmp1:
0x69: {  	_ = 	snop;
	(pc) =	sbr.rel @p1 .LBB2_1-.Ltmp1, $4  }
0x6a: {  	s0 =	simm.s32 @!p0 $0x4  }
0x6b: {  	_ =	swait.ge @!p0 [sflag:s0], $0x2700  }
0x6c: {  	[sflag:s0] =	ssyncset.done @!p0 $0x0  }
0x6d: {  	[sflag:s0] =	ssyncadd.s32 @!p0 $0xFFFFD900  }
0x6e: {  	_ =	sfence.sel $0x180000  }
0x6f: {  	[bflag:$0x0] =	sbarrier.arrive $0xFFFF  }
0x70: {  	_ =	strace $0x9000004D  }
0x71: {  	s0 =	stileid.u32;
	[bflag:$0x2] =	sbarrier.arrive $0xFFFF  }
0x72: {  	p0 =	sne.s32 s0, $0x0;
	s0 =	rddreg [dreg:$0x3]  }
0x73: {  	s0 =	sadd.s32 @!p0 $0x100000, s0  }
0x74: {  	[sflag:s0] =	ssyncadd.tile.s32 @!p0 $0x1;
	_ =	shalt  }
.Lfunc_end2:
_tile_overlayer_lowered:
.L_overlay_start_2:
0x75: {  	(tag) =	ssettag $0x2  }
0x76: {  	s0 =	rddreg [dreg:$0x0];
	s2 =	stileid.u32  }
0x77: {  	s1 =	rddreg [dreg:$0x1];
	p0 =	sne.s32 s2, $0x0  }
0x78: {  	s3 =	rddreg [dreg:$0x2];
	[bflag:$0x3] =	sbarrier.arrive $0xFFFF;
	s2 =	simm.s32 @!p0 $0x1C04  }
0x79: {  	[timem:s3], [sflag:s2] =	dma.local @!p0 [hbm:s0], s1  }
0x7a: {  	s0 =	simm.s32 @!p0 $0x4  }
0x7b: {  	_ =	swait.ge @!p0 [sflag:s0], s1  }
0x7c: {  	s1 =	ssub.s32 @!p0 $0x0, s1;
	[sflag:s0] =	ssyncset.done @!p0 $0x0  }
0x7d: {  	[sflag:s0] =	ssyncadd.s32 @!p0 s1  }
0x7e: {  	[bflag:$0x3] =	sbarrier.arrive $0xFFFF  }
0x7f: {  	_ =	shalt  }

// kernel: kernel.7.cloned.1.call-start
scs
__scs_entry_jumppad:
0x0: {  	(pc) =	sbr.rel $0x88, $3  }
0x1: {  	(tag) =	ssettag $0x0;
	lr =	simm.s32 $0x1  }
0x2: {  	[smem:$0x3F99] =	sst lr;
	_ =	strace $0xD0000000  }
0x3: {  	_ = 	snop  }
0x4: {  	_ = 	snop  }
0x5: {  	_ = 	snop  }
0x6: {  	_ = 	snop  }
0x7: {  	_ = 	snop  }
__scs_overlays_trampoline_lowered:
0x8: {  	[smem:$0x3FA8] =	sst s0  }
0x9: {  	[smem:$0x3FA9] =	sst s1  }
0xa: {  	[smem:$0x3FAA] =	sst s2  }
0xb: {  	[smem:$0x3FAB] =	sst s3  }
0xc: {  	[smem:$0x3FAC] =	sst s4  }
0xd: {  	[smem:$0x3FAD] =	sst s5  }
0xe: {  	[smem:$0x3FAE] =	sst s6  }
0xf: {  	[smem:$0x3FAF] =	sst s7  }
0x10: {  	[smem:$0x3FB0] =	sst s8  }
0x11: {  	[smem:$0x3FB1] =	sst s9;
	s0 =	simm.s32 @!p0 $0x0  }
0x12: {  	s1 =	sld [smem:$0x3F97];
	s0 =	simm.s32 @p0 $0x1  }
0x13: {  	[smem:$0x3FB2] =	sst s0;
	s0 =	simm.s32 @!p1 $0x0  }
0x14: {  	s2 =	sld [smem:$0x3F96];
	s0 =	simm.s32 @p1 $0x1  }
0x15: {  	[smem:$0x3FB3] =	sst s0;
	s0 =	simm.s32 @!p2 $0x0  }
0x16: {  	s3 =	sld [smem:$0x3FDB];
	s0 =	simm.s32 @p2 $0x1  }
0x17: {  	s4 =	simm.s32 $0x1BF5;
	[smem:$0x3FB5] =	sst s0  }
0x18: {  	s0 =	sld [smem:$0x3F98];
	_ =	swait.ge [sflag:s4], $0x0  }
0x19: {  	s7 =	sld [smem:$0x3F99]  }
0x1a: {  	s8 =	sadd.s32 $0xFFFFE003, lr  }
0x1b: {  	s9 =	sadd.s32 $0xFFFFFEF7, lr;
	s5 =	simm.s32 $0xFFFFFFFF;
	p2 =	slt.u32 s8, $0xFFFFF086  }
0x1c: {  	p1 =	slt.u32 s9, $0xF7A;
	s5 =	simm.s32 @!p2 $0x0  }
0x1d: {  	s5 =	simm.s32 @p1 $0x1;
	p0 =	seq.s32 s7, s2  }
0x1e: {  	s7 =	smul.u32 @!p0 $0xF7A, s2;
	p2 =	seq.s32 @!p0 s5, $0x0  }
0x1f: {  	s9 =	smul.u32 $0xF7A, s1;
	s8 =	simm.s32 @!p0 $0x1BF5;
	p2 =	por !p2, p0  }
0x20: {  	[sflag:s8] =	ssyncset.s32 @!p0 $0xFFFFF086;
	s6 =	sadd.s32 @!p0 s3, s7;
	s7 =	simm.s32 @!p0 $0x108  }
0x21: {  	s3 =	sadd.s32 s3, s9;
	s6 =	sadd.s32 @!p0 $0x88, s6;
	s7 =	simm.s32 @p2 $0x1082  }
0x22: {  	[simem:s7], [sflag:s8] =	dma.local @!p0 [hbm:s6], $0xF7A  }
0x23: {  	s9 =	sor.u32 $0xD0000000, s2;
	s6 =	simm.s32 $0x108;
	_ =	swait.ge @!p0 [sflag:s8], $0x0  }
0x24: {  	s3 =	sadd.s32 $0x88, s3;
	s6 =	simm.s32 @!p1 $0x1082;
	[sflag:s4] =	ssyncset.s32 $0xFFFFF086  }
0x25: {  	[simem:s6], [sflag:s4] =	dma.local [hbm:s3], $0xF7A  }
0x26: {  	[smem:$0x3F99] =	sst s1;
	(tag) =	ssettag s2;
	_ =	strace s9  }
0x27: {  	s1 =	sld [smem:$0x3FA9]  }
0x28: {  	s2 =	sld [smem:$0x3FAA]  }
0x29: {  	s4 =	sld [smem:$0x3FAC]  }
0x2a: {  	p0 =	seq.s32 s5, $0x0;
	s5 =	sld [smem:$0x3FAD]  }
0x2b: {  	s6 =	sld [smem:$0x3FAE]  }
0x2c: {  	s7 =	sld [smem:$0x3FAF]  }
0x2d: {  	s3 =	simm.s32 $0x108;
	s8 =	sld [smem:$0x3FB0]  }
0x2e: {  	s3 =	simm.s32 @!p0 $0x1082;
	s9 =	sld [smem:$0x3FB1]  }
0x2f: {  	lr =	sadd.s32 s0, s3;
	s0 =	sld [smem:$0x3FA8]  }
0x30: {  	s3 =	sld [smem:$0x3FAB]  }
0x31: {  	[smem:$0x3FB4] =	sst s10  }
0x32: {  	s10 =	sld [smem:$0x3FB2];
	_ =	sdelay $0x3  }
0x33: {  	p0 =	seq.s32 s10, $0x1;
	s10 =	sld [smem:$0x3FB4];
	_ =	sdelay $0x3  }
0x34: {  	[smem:$0x3FB4] =	sst s10  }
0x35: {  	s10 =	sld [smem:$0x3FB3];
	_ =	sdelay $0x3  }
0x36: {  	p1 =	seq.s32 s10, $0x1;
	s10 =	sld [smem:$0x3FB4];
	_ =	sdelay $0x3  }
0x37: {  	[smem:$0x3FB4] =	sst s10  }
0x38: {  	s10 =	sld [smem:$0x3FB5]  }
0x39: {  	_ = 	snop;
	(pc) =	sbr.ind lr, $3  }
0x3a: {  	_ = 	snop  }
0x3b: {  	_ = 	snop  }
0x3c: {  	p2 =	seq.s32 s10, $0x1;
	s10 =	sld [smem:$0x3FB4]  }
0x3d: {  	_ =	shalt  }
0x3e: {  	_ =	shalt  }
0x3f: {  	_ =	shalt  }
0x40: {  	_ =	shalt  }
0x41: {  	_ =	shalt  }
0x42: {  	_ =	shalt  }
0x43: {  	_ =	shalt  }
0x44: {  	_ =	shalt  }
0x45: {  	_ =	shalt  }
0x46: {  	_ =	shalt  }
0x47: {  	_ =	shalt  }
0x48: {  	_ =	shalt  }
0x49: {  	_ =	shalt  }
0x4a: {  	_ =	shalt  }
0x4b: {  	_ =	shalt  }
0x4c: {  	_ =	shalt  }
0x4d: {  	_ =	shalt  }
0x4e: {  	_ =	shalt  }
0x4f: {  	_ =	shalt  }
0x50: {  	_ =	shalt  }
0x51: {  	_ =	shalt  }
0x52: {  	_ =	shalt  }
0x53: {  	_ =	shalt  }
0x54: {  	_ =	shalt  }
0x55: {  	_ =	shalt  }
0x56: {  	_ =	shalt  }
0x57: {  	_ =	shalt  }
0x58: {  	_ =	shalt  }
0x59: {  	_ =	shalt  }
0x5a: {  	_ =	shalt  }
0x5b: {  	_ =	shalt  }
0x5c: {  	_ =	shalt  }
0x5d: {  	_ =	shalt  }
0x5e: {  	_ =	shalt  }
0x5f: {  	_ =	shalt  }
0x60: {  	_ =	shalt  }
0x61: {  	_ =	shalt  }
0x62: {  	_ =	shalt  }
0x63: {  	_ =	shalt  }
0x64: {  	_ =	shalt  }
0x65: {  	_ =	shalt  }
0x66: {  	_ =	shalt  }
0x67: {  	_ =	shalt  }
0x68: {  	_ =	shalt  }
0x69: {  	_ =	shalt  }
0x6a: {  	_ =	shalt  }
0x6b: {  	_ =	shalt  }
0x6c: {  	_ =	shalt  }
0x6d: {  	_ =	shalt  }
0x6e: {  	_ =	shalt  }
0x6f: {  	_ =	shalt  }
0x70: {  	_ =	shalt  }
0x71: {  	_ =	shalt  }
0x72: {  	_ =	shalt  }
0x73: {  	_ =	shalt  }
0x74: {  	_ =	shalt  }
0x75: {  	_ =	shalt  }
0x76: {  	_ =	shalt  }
0x77: {  	_ =	shalt  }
0x78: {  	_ =	shalt  }
0x79: {  	_ =	shalt  }
0x7a: {  	_ =	shalt  }
0x7b: {  	_ =	shalt  }
0x7c: {  	_ =	shalt  }
0x7d: {  	_ =	shalt  }
0x7e: {  	_ =	shalt  }
0x7f: {  	_ =	shalt  }
0x80: {  	_ =	shalt  }
0x81: {  	_ =	shalt  }
0x82: {  	_ =	shalt  }
0x83: {  	_ =	shalt  }
0x84: {  	_ =	shalt  }
0x85: {  	_ =	shalt  }
0x86: {  	_ =	shalt  }
0x87: {  	_ =	shalt  }
.Lfunc_end0:
.L_simem_size_0:
called_computation_lowered:
.L_overlay_start_0:
0x88: {  	s2 =	sld [smem:$0x3FD9]  }
0x89: {  	s3 =	sld [smem:$0x3FFE];
	_ =	sdelay $0x1  }
0x8a: {  	s1 =	srdreg.scid  }
0x8b: {  	s0 =	sand.u32 $0x1, s1  }
0x8c: {  	s17 =	sshll.u32 s0, $0xA;
	s2 =	sadd.s32 s3, s2  }
0x8d: {  	s2 =	sadd.s32 s2, s17  }
0x8e: {  	[smem:$0x3FC0] =	sst s2  }
0x8f: {  	_ = 	snop  }
0x90: {  	s2 =	sld [smem:$0x3FD0];
	(tm) =	ssettm $0x1  }
0x91: {  	s18 =	sld [smem:$0x3FFB];
	_ =	sdelay $0x3  }
0x92: {  	_ =	strace s18  }
0x93: {  	s3 =	sld [smem:$0x3FFC];
	_ =	sdelay $0x3  }
0x94: {  	_ =	strace s3  }
0x95: {  	s3 =	sld [smem:$0x3FFD];
	_ =	sdelay $0x3  }
0x96: {  	_ =	strace s3  }
0x97: {  	_ =	strace $0x8FFFFFFF  }
0x98: {  	s19 =	sld [smem:$0x3FDB];
	_ =	sdelay $0x1  }
0x99: {  	s4 =	simm.s32 $_scs_section_size  }
0x9a: {  	s5 =	simm.s32 $_size__tile_overlayer_lowered;
	s6 =	simm.s32 $_tile_overlayer_lowered  }
0x9b: {  	s22 =	simm.s32 $0x1BFF;
	s21 =	sshll.u32 s6, $0x1;
	s3 =	sadd.s32 s4, s19  }
0x9c: {  	s7 =	simm.s32 $0x0;
	s20 =	sshll.u32 s5, $0x1;
	s5 =	sadd.s32 s21, s3  }
0x9d: {  	[timem:s7], [sflag:s22] =	dma.local [hbm:s5], s20  }
0x9e: {  	_ =	swait.ge [sflag:s22], s20  }
0x9f: {  	s4 =	ssub.s32 $0x0, s20;
	[sflag:s22] =	ssyncset.done $0x0  }
0xa0: {  	[sflag:s22] =	ssyncadd.s32 s4;
	_ =	sdelay $0x1  }
0xa1: {  	s23 =	simm.s32 $0x1B8B  }
0xa2: {  	_ =	swait.ge [sflag:s23], $0x1  }
0xa3: {  	[sflag:s23] =	ssyncset.done $0x0  }
0xa4: {  	s25 =	simm.s32 $0x1B8E;
	s24 =	sld [smem:$0x3FFE];
	[sflag:s23] =	ssyncadd.s32 $0xFFFFFFFF  }
0xa5: {  	s26 =	simm.s32 $execute0_lowered;
	[smem:$0x3FD2] =	sst s25  }
0xa6: {  	s5 =	sshll.u32 s26, $0x1;
	_ =	strace $0x80000046;
	[dreg:$0x1] =	wrdreg $0xFFFFFFFF  }
0xa7: {  	s28 =	simm.s32 $_size_execute0_lowered;
	s3 =	sadd.s32 s3, s5;
	[dreg:$0x0] =	wrdreg $0x0  }
0xa8: {  	s5 =	sshll.u32 s28, $0x1;
	[dreg:$0x2] =	wrdreg s3  }
0xa9: {  	[dreg:$0x3] =	wrdreg s5  }
0xaa: {  	[dreg:$0x4] =	wrdreg $0xC0  }
0xab: {  	_ =	task [dreg:s7], $0x5FFFF  }
0xac: {  	[dreg:$0x1] =	wrdreg $0xFFFFFFFF  }
0xad: {  	[dreg:$0x0] =	wrdreg $0x60  }
0xae: {  	[dreg:$0x2] =	wrdreg s2  }
0xaf: {  	[dreg:$0x3] =	wrdreg s24  }
0xb0: {  	[dreg:$0x4] =	wrdreg $0x50000  }
0xb1: {  	[dreg:$0x5] =	wrdreg $0x9  }
0xb2: {  	_ =	task.clear_ibuf [dreg:s7], $0x6FFFF;
	_ =	strace $0x90000046  }
0xb3: {  	s29 =	simm.s32 $0x9;
	_ =	strace $0x80000048  }
0xb4: {  	_ =	swait.ge [sflag:s29], $0x1  }
0xb5: {  	[sflag:s29] =	ssyncadd.s32 $0xFFFFFFFF  }
0xb6: {  	_ =	strace $0x90000048  }
0xb7: {  	_ =	sfence  }
0xb8: {  	s30 =	sld [smem:$0x0];
	_ =	sdelay $0x2  }
0xb9: {  	s31 =	sshll.u32 s1, $0xD;
	s1 =	sshrl.u32 s1, $0x2  }
0xba: {  	s3 =	sand.u32 $0x4000, s31;
	s1 =	sadd.s32 s1, s30  }
0xbb: {  	s0 =	sor.u32 s3, s0;
	s1 =	sshll.u32 s1, $0x11  }
0xbc: {  	s0 =	sor.u32 s1, s0  }
0xbd: {  	s0 =	sadd.s32 $0x8F2B, s0  }
0xbe: {  	[sflag:s0] =	ssyncadd.remote.s32 $0x1  }
0xbf: {  	_ =	sfence.sel $0xFFFF  }
0xc0: {  	[dreg:$0x0] =	wrdreg $0xFFFFFFFF;
	(pc) =	sbr.abs _section_cstart, $3  }
0xc1: {  	[dreg:$0x1] =	wrdreg $0xFFFFFFFF  }
0xc2: {  	_ =	task.clear_ibuf [dreg:s7], $0x2FFFF;
	_ =	strace $0x9FFFFFFF  }
0xc3: {  	(tm) =	ssettm $0x7FFFFFFF  }
tec
execute0_lowered:
.L_overlay_start_1:
0x0: {  	(tag) =	ssettag $0x1  }
0x1: {  	s4 =	rddreg [dreg:$0x0]  }
0x2: {  	s5 =	rddreg [dreg:$0x1]  }
0x3: {  	s1 =	rddreg [dreg:$0x2]  }
0x4: {  	s0 =	rddreg [dreg:$0x3];
	s2 =	simm.s32 $0x0  }
0x5: {  	s3 =	srdreg.scid;
	s14 =	stileid.u32;
	s12 =	simm.s32 $0x50  }
0x6: {  	s13 =	simm.s32 $0x4F80;
	s16 =	simm.s32 $0x0;
	[smem:$0x7FF] =	sst s2  }
0x7: {  	s6 =	sand.u32 $0x1, s3;
	s8 =	sshll.u32 s14, $0xA;
	s30 =	sshrl.u32 s14, $0x2  }
0x8: {  	s9 =	sshll.u32 s14, $0x8;
	s3 =	sadd.s32 $0x2000, s5;
	p0 =	sne.s32 s14, $0x0  }
0x9: {  	p1 =	sgt.u32 s14, $0x9;
	_ =	strace $0x80000047;
	s7 =	smul.u32 $0x2800, s6  }
0xa: {  	s10 =	smul.u32 $0x13C00, s30;
	s11 =	sshll.u32 s6, $0x7;
	s9 =	sand.u32 $0x300, s9  }
0xb: {  	s6 =	ssub.s32 $0x2, s6;
	s15 =	sadd.s32 s8, s1;
	s14 =	sshll.u32 @!p1 s14, $0x6  }
0xc: {  	s9 =	sor.u32 s11, s9;
	s31 =	sshrl.u32 s6, $0x1;
	s11 =	simm.s32 $0x400  }
0xd: {  	s14 =	sor.u32 @!p1 $0x1C01, s14;
	s15 =	sshrl.u32 @!p1 s15, $0x3;
	s7 =	sadd.s32 s8, s7  }
0xe: {  	s9 =	sor.u32 s10, s9;
	s6 =	ssub.s32 s6, s31;
	s8 =	simm.s32 $0x1  }
0xf: {  	v0 =	vlaneseq.u32;
	s10 =	simm.s32 $0x80;
	s7 =	sshrl.u32 s7, $0x3;
	s9 =	sshrl.u32 s9, $0x3  }
0x10: {  	v5 =	vimm.f32 $1.000000000e+00;
	v1 =	vor.u32 $0x10, v0;
	s6 =	smax.u32 s6, $0x1;
	s5 =	sadd.s32 s7, s5;
	s4 =	sadd.s32 s4, s9  }
0x11: {  	v2 =	vor.u32 $0x20, v0;
	v3 =	vor.u32 $0x30, v0;
	v4 =	vor.u32 $0x40, v0;
	s7 =	simm.s32 $0x2780;
	s9 =	sshrl.u32 @!p0 s1, $0x3;
	s5 =	sadd.s32 $0x2600, s5  }
.LBB2_1:
0x12: {  	[tilespmem:$0x4F80] =	vst v0  }
0x13: {  	[tilespmem:$0x4F90] =	vst v1  }
0x14: {  	[tilespmem:$0x4FA0] =	vst v2  }
0x15: {  	[tilespmem:$0x4FB0] =	vst v3  }
0x16: {  	[tilespmem:$0x4FC0] =	vst v4  }
0x17: {  	[tilespmem:s7], [sflag:$0x1] =	stream.linear.gather [hbm4b:s3+s2], $0x2800, $0x38;
	[tilespmem:$0x5280] =	vst v63  }
0x18: {  	_ =	swait.ge [sflag:s8], $0x2800  }
0x19: {  	[sflag:s8] =	ssyncset.done $0x0  }
0x1a: {  	s17 =	simm.s32 @!p0 $0x1C01;
	[sflag:s8] =	ssyncadd.s32 $0xFFFFD800  }
0x1b: {  	[spmem:s9], [sflag:s17] =	dma.local @!p0 [hbm:s3], $0x500  }
0x1c: {  	s17 =	simm.s32 @!p0 $0x1  }
0x1d: {  	_ =	swait.ge @!p0 [sflag:s17], $0x500  }
0x1e: {  	[sflag:s17] =	ssyncset.done @!p0 $0x0  }
0x1f: {  	[sflag:s17] =	ssyncadd.s32 @!p0 $0xFFFFFB00  }
0x20: {  	[tilespmem:s2], [sflag:$0x1] =	stream.strided.gather [hbm4b:s4+s10], $0x2780, s11, s10, $0x38;
	[tilespmem:$0x5280] =	vst v63  }
0x21: {  	_ =	swait.ge [sflag:s8], $0x2780  }
0x22: {  	[sflag:s8] =	ssyncset.done $0x0  }
0x23: {  	[sflag:s8] =	ssyncadd.s32 $0xFFFFD880  }
0x24: {  	s18 =	simm.s32 $0x0;
	s17 =	simm.s32 $0x40;
	[bflag:$0x0] =	sbarrier.arrive $0xFFFF  }
.LBB2_2:
0x25: {  	p2 =	sne.s32 s17, $0x9C00;
	v6 =	vld [tilespmem:s18+$0x0];
	_ =	sdelay $0x3  }
.Ltmp0:
0x26: {  	(pc) =	sbr.rel @p2 .LBB2_2-.Ltmp0, $2  }
0x27: {  	_ =	sdelay $0x2  }
0x28: {  	s18 =	sshra.s32 s17, $0x2;
	s17 =	sadd.s32 $0x40, s17;
	[tilespmem:v6+s7+$0x0] =	vst.idx.add.f32.msk $0xffff, v5  }
0x29: {  	v6 =	vld [tilespmem:s18+$0x0];
	_ =	sdelay $0x7  }
0x2a: {  	[tilespmem:v6+s7+$0x0] =	vst.idx.add.f32.msk $0xffff, v5  }
0x2b: {  	[spmem:s1] =	stream.indirect.scatter.add.f32 [tilespmem:s7], [sflag:$0x1], $0x80, s13, s12, $0xb8;
	[tilespmem:$0x5280] =	vst v63  }
0x2c: {  	_ =	swait.ge [sflag:s8], $0x2800  }
0x2d: {  	s16 =	sadd.s32 $0x1, s16;
	[sflag:s8] =	ssyncset.done $0x0  }
0x2e: {  	p2 =	sne.s32 s16, s6;
	[sflag:s8] =	ssyncadd.s32 $0xFFFFD800  }
.Ltmp1:
0x2f: {  	s17 =	simm.s32 @!p1 $0x1;
	[bflag:$0x0] =	sbarrier.arrive $0xFFFF;
	(pc) =	sbr.rel @p2 .LBB2_1-.Ltmp1, $4  }
0x30: {  	[hbm:s5], [sflag:s14] =	dma.local @!p1 [spmem:s15], $0x80  }
0x31: {  	_ =	swait.ge @!p1 [sflag:s17], $0x80  }
0x32: {  	[sflag:s17] =	ssyncset.done @!p1 $0x0  }
0x33: {  	[sflag:s17] =	ssyncadd.s32 @!p1 $0xFFFFFF80  }
0x34: {  	_ =	sfence.sel $0x180000  }
0x35: {  	[bflag:$0x0] =	sbarrier.arrive $0xFFFF  }
0x36: {  	_ =	strace $0x90000047  }
0x37: {  	s0 =	sadd.s32 @!p0 $0x100000, s0;
	[bflag:$0x2] =	sbarrier.arrive $0xFFFF  }
0x38: {  	[sflag:s0] =	ssyncadd.tile.s32 @!p0 $0x1;
	_ =	shalt  }
.Lfunc_end2:
_tile_overlayer_lowered:
.L_overlay_start_2:
0x39: {  	(tag) =	ssettag $0x2  }
0x3a: {  	s0 =	rddreg [dreg:$0x0];
	s2 =	stileid.u32  }
0x3b: {  	s1 =	rddreg [dreg:$0x1];
	p0 =	sne.s32 s2, $0x0  }
0x3c: {  	s3 =	rddreg [dreg:$0x2];
	[bflag:$0x3] =	sbarrier.arrive $0xFFFF;
	s2 =	simm.s32 @!p0 $0x1C01  }
0x3d: {  	[timem:s3], [sflag:s2] =	dma.local @!p0 [hbm:s0], s1  }
0x3e: {  	s0 =	simm.s32 @!p0 $0x1  }
0x3f: {  	_ =	swait.ge @!p0 [sflag:s0], s1  }
0x40: {  	s1 =	ssub.s32 @!p0 $0x0, s1;
	[sflag:s0] =	ssyncset.done @!p0 $0x0  }
0x41: {  	[sflag:s0] =	ssyncadd.s32 @!p0 s1  }
0x42: {  	[bflag:$0x3] =	sbarrier.arrive $0xFFFF  }
0x43: {  	_ =	shalt  }

</sc_bundles>
